<compile_context>
chip_gen: v7x
topology: tpu7x:2x2x1
jax: 0.10.2.dev20260603
libtpu: 0.0.44.dev20260713+nightly
codegen_flags: <defaults>
</compile_context>

<pallas_src>
import functools

import jax
import jax.numpy as jnp
from jax import lax
from jax.experimental import pallas as pl
from jax.experimental.pallas import tpu as pltpu
from jax.experimental.pallas import tpu_sc as plsc

N = 10000
E = 320000
D = 128
G = 64

NUM_CORES = 2
NUM_SUBCORES = 16
NW = NUM_CORES * NUM_SUBCORES
CHUNK = 128
NCH = -(-E // (NW * CHUNK))
EPAD = NW * NCH * CHUNK
ROWS_PER_SUB = 640
NPAD = NUM_SUBCORES * ROWS_PER_SUB

_mesh = plsc.VectorSubcoreMesh(core_axis_name="c", subcore_axis_name="s")


@functools.partial(
    pl.kernel,
    out_type=(jax.ShapeDtypeStruct((NPAD, D), jnp.float32),
              jax.ShapeDtypeStruct((NPAD, D), jnp.float32)),
    mesh=_mesh,
    scratch_types=[
        pltpu.VMEM((NCH, CHUNK), jnp.int32),
        pltpu.VMEM((NCH, CHUNK), jnp.int32),
        pltpu.VMEM((CHUNK, D), jnp.float32),
        pltpu.VMEM_SHARED((NPAD, D), jnp.float32),
    ],
)
def _sc_agg_kernel(h_hbm, src_hbm, dst_hbm, z_hbm, p0_hbm, p1_hbm,
                   src_v, dst_v, rows_v, acc_sh):
    cid = lax.axis_index("c")
    sid = lax.axis_index("s")
    wid = sid * NUM_CORES + cid
    base = sid * ROWS_PER_SUB

    for k in range(ROWS_PER_SUB // CHUNK):
        pltpu.sync_copy(z_hbm, acc_sh.at[pl.ds(base + k * CHUNK, CHUNK)])
    plsc.subcore_barrier()

    pltpu.sync_copy(src_hbm.at[wid], src_v)
    pltpu.sync_copy(dst_hbm.at[wid], dst_v)

    @pl.loop(0, NCH)
    def _(j):
        pltpu.sync_copy(h_hbm.at[src_v.at[j]], rows_v)
        pltpu.sync_copy(rows_v, acc_sh.at[dst_v.at[j]], add=True)

    plsc.subcore_barrier()

    sl = pl.ds(base, ROWS_PER_SUB)

    @pl.when(cid == 0)
    def _():
        pltpu.sync_copy(acc_sh.at[sl], p0_hbm.at[sl])

    @pl.when(cid == 1)
    def _():
        pltpu.sync_copy(acc_sh.at[sl], p1_hbm.at[sl])


BR = 1000
NBLK = N // BR


def _mlp_body(x_ref, p0_ref, p1_ref, wa_ref, ba_ref, wb_ref, bb_ref, o_ref):
    h = x_ref[...] + p0_ref[...] + p1_ref[...]
    a = jnp.maximum(
        jnp.dot(h, wa_ref[...], preferred_element_type=jnp.float32) + ba_ref[...],
        0.0)
    o_ref[...] = jnp.dot(a, wb_ref[...], preferred_element_type=jnp.float32) + bb_ref[...]


def _tc_mlp(x, p0, p1, Wa, ba, Wb, bb):
    return pl.pallas_call(
        _mlp_body,
        grid=(NBLK,),
        in_specs=[
            pl.BlockSpec((BR, D), lambda i: (i, 0)),
            pl.BlockSpec((BR, D), lambda i: (i, 0)),
            pl.BlockSpec((BR, D), lambda i: (i, 0)),
            pl.BlockSpec((D, D), lambda i: (0, 0)),
            pl.BlockSpec((1, D), lambda i: (0, 0)),
            pl.BlockSpec((D, D), lambda i: (0, 0)),
            pl.BlockSpec((1, D), lambda i: (0, 0)),
        ],
        out_specs=pl.BlockSpec((BR, D), lambda i: (i, 0)),
        out_shape=jax.ShapeDtypeStruct((N, D), jnp.float32),
    )(x, p0, p1, Wa, ba.reshape(1, D), Wb, bb.reshape(1, D))


def _final_body(h_ref, p0_ref, p1_ref, b_ref, wa_ref, ba_ref, wb_ref, bb_ref,
                wl_ref, bl_ref, o_ref, acc_s, acc_c):
    i = pl.program_id(0)
    h = h_ref[...] + p0_ref[...] + p1_ref[...]
    a = jnp.maximum(
        jnp.dot(h, wa_ref[...], preferred_element_type=jnp.float32) + ba_ref[...],
        0.0)
    h2 = jnp.dot(a, wb_ref[...], preferred_element_type=jnp.float32) + bb_ref[...]

    seg = lax.broadcasted_iota(jnp.int32, (BR, G), 1)
    onehot = (b_ref[...] == seg).astype(jnp.float32)
    contrib = lax.dot_general(onehot, h2, (((0,), (0,)), ((), ())),
                              preferred_element_type=jnp.float32)
    cnt = lax.dot_general(onehot, jnp.ones((BR, 1), jnp.float32),
                          (((0,), (0,)), ((), ())),
                          preferred_element_type=jnp.float32)

    @pl.when(i == 0)
    def _():
        acc_s[...] = jnp.zeros_like(acc_s)
        acc_c[...] = jnp.zeros_like(acc_c)

    acc_s[...] += contrib
    acc_c[...] += cnt

    @pl.when(i == NBLK - 1)
    def _():
        pooled = acc_s[...] / jnp.maximum(acc_c[...], 1.0)
        o_ref[...] = (jnp.dot(pooled, wl_ref[...],
                              preferred_element_type=jnp.float32) + bl_ref[...])


def _tc_final(h1, p0, p1, bcol, Wa, ba, Wb, bb, Wl, bl):
    return pl.pallas_call(
        _final_body,
        grid=(NBLK,),
        in_specs=[
            pl.BlockSpec((BR, D), lambda i: (i, 0)),
            pl.BlockSpec((BR, D), lambda i: (i, 0)),
            pl.BlockSpec((BR, D), lambda i: (i, 0)),
            pl.BlockSpec((BR, 1), lambda i: (i, 0)),
            pl.BlockSpec((D, D), lambda i: (0, 0)),
            pl.BlockSpec((1, D), lambda i: (0, 0)),
            pl.BlockSpec((D, D), lambda i: (0, 0)),
            pl.BlockSpec((1, D), lambda i: (0, 0)),
            pl.BlockSpec((D, D), lambda i: (0, 0)),
            pl.BlockSpec((1, D), lambda i: (0, 0)),
        ],
        out_specs=pl.BlockSpec((G, D), lambda i: (0, 0)),
        out_shape=jax.ShapeDtypeStruct((G, D), jnp.float32),
        scratch_shapes=[
            pltpu.VMEM((G, D), jnp.float32),
            pltpu.VMEM((G, 1), jnp.float32),
        ],
    )(h1, p0, p1, bcol, Wa, ba.reshape(1, D), Wb, bb.reshape(1, D),
      Wl, bl.reshape(1, D))


def kernel(x, edge_index, batch, W1a, b1a, W1b, b1b, W2a, b2a, W2b, b2b, Wl, bl):
    src = edge_index[0]
    dst = edge_index[1]
    pad = EPAD - E
    srcr = jnp.concatenate([src, jnp.zeros((pad,), jnp.int32)]).reshape(NW, NCH, CHUNK)
    dstr = jnp.concatenate([dst, jnp.full((pad,), N, jnp.int32)]).reshape(NW, NCH, CHUNK)
    zblk = jnp.zeros((CHUNK, D), jnp.float32)
    bcol = batch.reshape(N, 1)

    p0, p1 = _sc_agg_kernel(x, srcr, dstr, zblk)
    h1 = _tc_mlp(x, p0, p1, W1a, b1a, W1b, b1b)
    q0, q1 = _sc_agg_kernel(h1, srcr, dstr, zblk)
    return _tc_final(h1, q0, q1, bcol, W2a, b2a, W2b, b2b, Wl, bl)

# --- scband reference (transcript-rebuilt; emitter-appended) ---
"""Pipeline reference for scband-gin-81819126989475 (READ-ONLY COPY).

The authoritative reference and input builder live on the scoring server;
editing this copy changes nothing except your own understanding.
"""

import jax, jax.numpy as jnp
import numpy as np

N = 10000
E = 320000
D_IN = 128
D_HID = 128
D_OUT = 128
G = 64


def _mlp(h, Wa, ba, Wb, bb):
    return jax.nn.relu(h @ Wa + ba) @ Wb + bb


def _gin_conv(x, src, dst, Wa, ba, Wb, bb, eps=0.0):
    # GINConv: out = MLP((1+eps)*x + sum_{j in N(i)} x_j), sum aggregation at dst
    agg = jnp.zeros_like(x).at[dst].add(x[src])
    return _mlp((1.0 + eps) * x + agg, Wa, ba, Wb, bb)


def setup_inputs(seed: int = 0):
    key = jax.random.key(seed)
    ks = jax.random.split(key, 16)
    x = jax.random.normal(ks[0], (N, D_IN), jnp.float32)
    edge_index = jax.random.randint(ks[1], (2, E), 0, N, jnp.int32)
    batch = jnp.sort(jax.random.randint(ks[2], (N,), 0, G, jnp.int32))

    def lin(k, fi, fo):
        kw, kb = jax.random.split(k)
        bound = 1.0 / np.sqrt(fi)
        W = jax.random.uniform(kw, (fi, fo), jnp.float32, -bound, bound)
        b = jax.random.uniform(kb, (fo,), jnp.float32, -bound, bound)
        return W, b

    W1a, b1a = lin(ks[3], D_IN, D_HID)
    W1b, b1b = lin(ks[4], D_HID, D_HID)
    W2a, b2a = lin(ks[5], D_HID, D_HID)
    W2b, b2b = lin(ks[6], D_HID, D_HID)
    Wl, bl = lin(ks[7], D_HID, D_OUT)
    return {"x": x, "edge_index": edge_index, "batch": batch,
            "W1a": W1a, "b1a": b1a, "W1b": W1b, "b1b": b1b,
            "W2a": W2a, "b2a": b2a, "W2b": W2b, "b2b": b2b,
            "Wl": Wl, "bl": bl}


def reference(x, edge_index, batch, W1a, b1a, W1b, b1b, W2a, b2a, W2b, b2b, Wl, bl):
    src = edge_index[0]
    dst = edge_index[1]
    h = _gin_conv(x, src, dst, W1a, b1a, W1b, b1b)
    h = _gin_conv(h, src, dst, W2a, b2a, W2b, b2b)
    # global_mean_pool over batch assignment vector
    sums = jax.ops.segment_sum(h, batch, num_segments=G)
    counts = jax.ops.segment_sum(jnp.ones((N, 1), jnp.float32), batch, num_segments=G)
    pooled = sums / jnp.maximum(counts, 1.0)
    return pooled @ Wl + bl

if __name__ == "__main__":
    import jax
    _d = setup_inputs()
    print(jax.jit(kernel)(*tuple(_d.values())))

</pallas_src>

<mosaic_0001>
#map = affine_map<(d0, d1) -> (0, 0)>
#map1 = affine_map<(d0, d1) -> (0, 0, 0)>
module attributes {stable_mosaic.version = 14 : i64} {
  func.func @_sc_agg_kernel(%arg0: i32, %arg1: i32, %arg2: memref<10000x128xf32, #tpu.memory_space<hbm>>, %arg3: memref<32x79x128xi32, #tpu.memory_space<hbm>>, %arg4: memref<32x79x128xi32, #tpu.memory_space<hbm>>, %arg5: memref<128x128xf32, #tpu.memory_space<hbm>>, %arg6: memref<10240x128xf32, #tpu.memory_space<hbm>>, %arg7: memref<10240x128xf32, #tpu.memory_space<hbm>>, %arg8: memref<79x128xi32, #tpu.memory_space<vmem>>, %arg9: memref<79x128xi32, #tpu.memory_space<vmem>>, %arg10: memref<128x128xf32, #tpu.memory_space<vmem>>, %arg11: memref<10240x128xf32, #tpu.memory_space<vmem_shared>>) attributes {dimension_semantics = [#tpu.dimension_semantics<core_parallel>, #tpu.dimension_semantics<subcore_parallel>], iteration_bounds = array<i64: 2, 16>, scalar_prefetch = 0 : i64, scratch_operands = 4 : i64, tpu.core_type = #tpu.core_type<sc_vector_subcore>, window_params = [{transform_indices = #map}, {transform_indices = #map1}, {transform_indices = #map1}, {transform_indices = #map}, {transform_indices = #map}, {transform_indices = #map}]} {
    %mul3A = arith.constant 2 : i32
    %mul3A_0 = arith.muli %arg1, %mul3A : i32
    %add3A = arith.addi %mul3A_0, %arg0 : i32
    %mul3A_1 = arith.constant 640 : i32
    %mul3A_2 = arith.muli %arg1, %mul3A_1 : i32
    %add3A_3 = arith.constant 0 : i32
    %add3A_4 = arith.addi %mul3A_2, %add3A_3 : i32
    "tpu.region"() ({
      %run_scoped3A = tpu.sem_alloc : memref<!tpu.dma_semaphore, #tpu.memory_space<semaphore_mem>>
      %dma_start3A = arith.constant 0 : i32
      %dma_start3A_25 = tpu.memref_slice %arg11[%add3A_4, %dma_start3A] : memref<10240x128xf32, #tpu.memory_space<vmem_shared>> -> memref<128x128xf32, #tpu.memory_space<vmem_shared>>
      tpu.enqueue_dma source(%arg5 : memref<128x128xf32, #tpu.memory_space<hbm>>) target(%dma_start3A_25 : memref<128x128xf32, #tpu.memory_space<vmem_shared>>) target_semaphore(%run_scoped3A : memref<!tpu.dma_semaphore, #tpu.memory_space<semaphore_mem>>)
      %dma_wait3A = arith.constant 0 : i32
      %dma_wait3A_26 = tpu.memref_slice %arg11[%add3A_4, %dma_wait3A] : memref<10240x128xf32, #tpu.memory_space<vmem_shared>> -> memref<128x128xf32, #tpu.memory_space<vmem_shared>>
      tpu.wait_dma2 semaphore(%run_scoped3A : memref<!tpu.dma_semaphore, #tpu.memory_space<semaphore_mem>>) src(%arg5 : memref<128x128xf32, #tpu.memory_space<hbm>>) dst(%dma_wait3A_26 : memref<128x128xf32, #tpu.memory_space<vmem_shared>>)
      tpu.yield
    }) : () -> ()
    %add3A_5 = arith.constant 128 : i32
    %add3A_6 = arith.addi %mul3A_2, %add3A_5 : i32
    "tpu.region"() ({
      %run_scoped3A = tpu.sem_alloc : memref<!tpu.dma_semaphore, #tpu.memory_space<semaphore_mem>>
      %dma_start3A = arith.constant 0 : i32
      %dma_start3A_25 = tpu.memref_slice %arg11[%add3A_6, %dma_start3A] : memref<10240x128xf32, #tpu.memory_space<vmem_shared>> -> memref<128x128xf32, #tpu.memory_space<vmem_shared>>
      tpu.enqueue_dma source(%arg5 : memref<128x128xf32, #tpu.memory_space<hbm>>) target(%dma_start3A_25 : memref<128x128xf32, #tpu.memory_space<vmem_shared>>) target_semaphore(%run_scoped3A : memref<!tpu.dma_semaphore, #tpu.memory_space<semaphore_mem>>)
      %dma_wait3A = arith.constant 0 : i32
      %dma_wait3A_26 = tpu.memref_slice %arg11[%add3A_6, %dma_wait3A] : memref<10240x128xf32, #tpu.memory_space<vmem_shared>> -> memref<128x128xf32, #tpu.memory_space<vmem_shared>>
      tpu.wait_dma2 semaphore(%run_scoped3A : memref<!tpu.dma_semaphore, #tpu.memory_space<semaphore_mem>>) src(%arg5 : memref<128x128xf32, #tpu.memory_space<hbm>>) dst(%dma_wait3A_26 : memref<128x128xf32, #tpu.memory_space<vmem_shared>>)
      tpu.yield
    }) : () -> ()
    %add3A_7 = arith.constant 256 : i32
    %add3A_8 = arith.addi %mul3A_2, %add3A_7 : i32
    "tpu.region"() ({
      %run_scoped3A = tpu.sem_alloc : memref<!tpu.dma_semaphore, #tpu.memory_space<semaphore_mem>>
      %dma_start3A = arith.constant 0 : i32
      %dma_start3A_25 = tpu.memref_slice %arg11[%add3A_8, %dma_start3A] : memref<10240x128xf32, #tpu.memory_space<vmem_shared>> -> memref<128x128xf32, #tpu.memory_space<vmem_shared>>
      tpu.enqueue_dma source(%arg5 : memref<128x128xf32, #tpu.memory_space<hbm>>) target(%dma_start3A_25 : memref<128x128xf32, #tpu.memory_space<vmem_shared>>) target_semaphore(%run_scoped3A : memref<!tpu.dma_semaphore, #tpu.memory_space<semaphore_mem>>)
      %dma_wait3A = arith.constant 0 : i32
      %dma_wait3A_26 = tpu.memref_slice %arg11[%add3A_8, %dma_wait3A] : memref<10240x128xf32, #tpu.memory_space<vmem_shared>> -> memref<128x128xf32, #tpu.memory_space<vmem_shared>>
      tpu.wait_dma2 semaphore(%run_scoped3A : memref<!tpu.dma_semaphore, #tpu.memory_space<semaphore_mem>>) src(%arg5 : memref<128x128xf32, #tpu.memory_space<hbm>>) dst(%dma_wait3A_26 : memref<128x128xf32, #tpu.memory_space<vmem_shared>>)
      tpu.yield
    }) : () -> ()
    %add3A_9 = arith.constant 384 : i32
    %add3A_10 = arith.addi %mul3A_2, %add3A_9 : i32
    "tpu.region"() ({
      %run_scoped3A = tpu.sem_alloc : memref<!tpu.dma_semaphore, #tpu.memory_space<semaphore_mem>>
      %dma_start3A = arith.constant 0 : i32
      %dma_start3A_25 = tpu.memref_slice %arg11[%add3A_10, %dma_start3A] : memref<10240x128xf32, #tpu.memory_space<vmem_shared>> -> memref<128x128xf32, #tpu.memory_space<vmem_shared>>
      tpu.enqueue_dma source(%arg5 : memref<128x128xf32, #tpu.memory_space<hbm>>) target(%dma_start3A_25 : memref<128x128xf32, #tpu.memory_space<vmem_shared>>) target_semaphore(%run_scoped3A : memref<!tpu.dma_semaphore, #tpu.memory_space<semaphore_mem>>)
      %dma_wait3A = arith.constant 0 : i32
      %dma_wait3A_26 = tpu.memref_slice %arg11[%add3A_10, %dma_wait3A] : memref<10240x128xf32, #tpu.memory_space<vmem_shared>> -> memref<128x128xf32, #tpu.memory_space<vmem_shared>>
      tpu.wait_dma2 semaphore(%run_scoped3A : memref<!tpu.dma_semaphore, #tpu.memory_space<semaphore_mem>>) src(%arg5 : memref<128x128xf32, #tpu.memory_space<hbm>>) dst(%dma_wait3A_26 : memref<128x128xf32, #tpu.memory_space<vmem_shared>>)
      tpu.yield
    }) : () -> ()
    %add3A_11 = arith.constant 512 : i32
    %add3A_12 = arith.addi %mul3A_2, %add3A_11 : i32
    "tpu.region"() ({
      %run_scoped3A = tpu.sem_alloc : memref<!tpu.dma_semaphore, #tpu.memory_space<semaphore_mem>>
      %dma_start3A = arith.constant 0 : i32
      %dma_start3A_25 = tpu.memref_slice %arg11[%add3A_12, %dma_start3A] : memref<10240x128xf32, #tpu.memory_space<vmem_shared>> -> memref<128x128xf32, #tpu.memory_space<vmem_shared>>
      tpu.enqueue_dma source(%arg5 : memref<128x128xf32, #tpu.memory_space<hbm>>) target(%dma_start3A_25 : memref<128x128xf32, #tpu.memory_space<vmem_shared>>) target_semaphore(%run_scoped3A : memref<!tpu.dma_semaphore, #tpu.memory_space<semaphore_mem>>)
      %dma_wait3A = arith.constant 0 : i32
      %dma_wait3A_26 = tpu.memref_slice %arg11[%add3A_12, %dma_wait3A] : memref<10240x128xf32, #tpu.memory_space<vmem_shared>> -> memref<128x128xf32, #tpu.memory_space<vmem_shared>>
      tpu.wait_dma2 semaphore(%run_scoped3A : memref<!tpu.dma_semaphore, #tpu.memory_space<semaphore_mem>>) src(%arg5 : memref<128x128xf32, #tpu.memory_space<hbm>>) dst(%dma_wait3A_26 : memref<128x128xf32, #tpu.memory_space<vmem_shared>>)
      tpu.yield
    }) : () -> ()
    %barrier3A = arith.constant 0 : index
    tpu.barrier barrier_id(%barrier3A)
    "tpu.region"() ({
      %run_scoped3A = tpu.sem_alloc : memref<!tpu.dma_semaphore, #tpu.memory_space<semaphore_mem>>
      %dma_start3A = arith.constant 0 : i32
      %dma_start3A_25 = arith.constant 0 : i32
      %dma_start3A_26 = tpu.memref_slice %arg3[%add3A, %dma_start3A, %dma_start3A_25] : memref<32x79x128xi32, #tpu.memory_space<hbm>> -> memref<1x79x128xi32, #tpu.memory_space<hbm>>
      %dma_start3A_27 = tpu.memref_squeeze %dma_start3A_26 : memref<1x79x128xi32, #tpu.memory_space<hbm>> -> memref<79x128xi32, #tpu.memory_space<hbm>>
      %dma_start3A_28 = arith.constant 0 : i32
      %dma_start3A_29 = arith.constant 0 : i32
      %dma_start3A_30 = tpu.memref_slice %arg3[%add3A, %dma_start3A_28, %dma_start3A_29] : memref<32x79x128xi32, #tpu.memory_space<hbm>> -> memref<1x79x128xi32, #tpu.memory_space<hbm>>
      %dma_start3A_31 = tpu.memref_squeeze %dma_start3A_30 : memref<1x79x128xi32, #tpu.memory_space<hbm>> -> memref<79x128xi32, #tpu.memory_space<hbm>>
      tpu.enqueue_dma source(%dma_start3A_31 : memref<79x128xi32, #tpu.memory_space<hbm>>) target(%arg8 : memref<79x128xi32, #tpu.memory_space<vmem>>) target_semaphore(%run_scoped3A : memref<!tpu.dma_semaphore, #tpu.memory_space<semaphore_mem>>)
      %dma_wait3A = arith.constant 0 : i32
      %dma_wait3A_32 = arith.constant 0 : i32
      %dma_wait3A_33 = tpu.memref_slice %arg3[%add3A, %dma_wait3A, %dma_wait3A_32] : memref<32x79x128xi32, #tpu.memory_space<hbm>> -> memref<1x79x128xi32, #tpu.memory_space<hbm>>
      %dma_wait3A_34 = tpu.memref_squeeze %dma_wait3A_33 : memref<1x79x128xi32, #tpu.memory_space<hbm>> -> memref<79x128xi32, #tpu.memory_space<hbm>>
      %dma_wait3A_35 = arith.constant 0 : i32
      %dma_wait3A_36 = arith.constant 0 : i32
      %dma_wait3A_37 = tpu.memref_slice %arg3[%add3A, %dma_wait3A_35, %dma_wait3A_36] : memref<32x79x128xi32, #tpu.memory_space<hbm>> -> memref<1x79x128xi32, #tpu.memory_space<hbm>>
      %dma_wait3A_38 = tpu.memref_squeeze %dma_wait3A_37 : memref<1x79x128xi32, #tpu.memory_space<hbm>> -> memref<79x128xi32, #tpu.memory_space<hbm>>
      tpu.wait_dma2 semaphore(%run_scoped3A : memref<!tpu.dma_semaphore, #tpu.memory_space<semaphore_mem>>) src(%dma_wait3A_38 : memref<79x128xi32, #tpu.memory_space<hbm>>) dst(%arg8 : memref<79x128xi32, #tpu.memory_space<vmem>>)
      tpu.yield
    }) : () -> ()
    "tpu.region"() ({
      %run_scoped3A = tpu.sem_alloc : memref<!tpu.dma_semaphore, #tpu.memory_space<semaphore_mem>>
      %dma_start3A = arith.constant 0 : i32
      %dma_start3A_25 = arith.constant 0 : i32
      %dma_start3A_26 = tpu.memref_slice %arg4[%add3A, %dma_start3A, %dma_start3A_25] : memref<32x79x128xi32, #tpu.memory_space<hbm>> -> memref<1x79x128xi32, #tpu.memory_space<hbm>>
      %dma_start3A_27 = tpu.memref_squeeze %dma_start3A_26 : memref<1x79x128xi32, #tpu.memory_space<hbm>> -> memref<79x128xi32, #tpu.memory_space<hbm>>
      %dma_start3A_28 = arith.constant 0 : i32
      %dma_start3A_29 = arith.constant 0 : i32
      %dma_start3A_30 = tpu.memref_slice %arg4[%add3A, %dma_start3A_28, %dma_start3A_29] : memref<32x79x128xi32, #tpu.memory_space<hbm>> -> memref<1x79x128xi32, #tpu.memory_space<hbm>>
      %dma_start3A_31 = tpu.memref_squeeze %dma_start3A_30 : memref<1x79x128xi32, #tpu.memory_space<hbm>> -> memref<79x128xi32, #tpu.memory_space<hbm>>
      tpu.enqueue_dma source(%dma_start3A_31 : memref<79x128xi32, #tpu.memory_space<hbm>>) target(%arg9 : memref<79x128xi32, #tpu.memory_space<vmem>>) target_semaphore(%run_scoped3A : memref<!tpu.dma_semaphore, #tpu.memory_space<semaphore_mem>>)
      %dma_wait3A = arith.constant 0 : i32
      %dma_wait3A_32 = arith.constant 0 : i32
      %dma_wait3A_33 = tpu.memref_slice %arg4[%add3A, %dma_wait3A, %dma_wait3A_32] : memref<32x79x128xi32, #tpu.memory_space<hbm>> -> memref<1x79x128xi32, #tpu.memory_space<hbm>>
      %dma_wait3A_34 = tpu.memref_squeeze %dma_wait3A_33 : memref<1x79x128xi32, #tpu.memory_space<hbm>> -> memref<79x128xi32, #tpu.memory_space<hbm>>
      %dma_wait3A_35 = arith.constant 0 : i32
      %dma_wait3A_36 = arith.constant 0 : i32
      %dma_wait3A_37 = tpu.memref_slice %arg4[%add3A, %dma_wait3A_35, %dma_wait3A_36] : memref<32x79x128xi32, #tpu.memory_space<hbm>> -> memref<1x79x128xi32, #tpu.memory_space<hbm>>
      %dma_wait3A_38 = tpu.memref_squeeze %dma_wait3A_37 : memref<1x79x128xi32, #tpu.memory_space<hbm>> -> memref<79x128xi32, #tpu.memory_space<hbm>>
      tpu.wait_dma2 semaphore(%run_scoped3A : memref<!tpu.dma_semaphore, #tpu.memory_space<semaphore_mem>>) src(%dma_wait3A_38 : memref<79x128xi32, #tpu.memory_space<hbm>>) dst(%arg9 : memref<79x128xi32, #tpu.memory_space<vmem>>)
      tpu.yield
    }) : () -> ()
    %scan3A = arith.constant 0 : i32
    %scan3A_13 = arith.constant 79 : i32
    %scan3A_14 = arith.addi %scan3A, %scan3A_13 : i32
    %scan3A_15 = arith.constant 1 : i32
    scf.for %scan3A_25 = %scan3A to %scan3A_14 step %scan3A_15  : i32 {
      %mul3A_26 = arith.constant 1 : i32
      %mul3A_27 = arith.muli %scan3A_25, %mul3A_26 : i32
      %add3A_28 = arith.constant 0 : i32
      %add3A_29 = arith.addi %add3A_28, %mul3A_27 : i32
      "tpu.region"() ({
        %run_scoped3A = tpu.sem_alloc : memref<!tpu.dma_semaphore, #tpu.memory_space<semaphore_mem>>
        %dma_start3A = arith.constant 0 : i32
        %dma_start3A_30 = tpu.memref_slice %arg8[%add3A_29, %dma_start3A] : memref<79x128xi32, #tpu.memory_space<vmem>> -> memref<1x128xi32, #tpu.memory_space<vmem>>
        %dma_start3A_31 = tpu.memref_squeeze %dma_start3A_30 : memref<1x128xi32, #tpu.memory_space<vmem>> -> memref<128xi32, #tpu.memory_space<vmem>>
        %dma_start3A_32 = arith.constant 0 : i32
        %dma_start3A_33 = arith.constant 0 : i32
        %dma_start3A_34 = tpu.memref_slice %arg2[%dma_start3A_32, %dma_start3A_33] : memref<10000x128xf32, #tpu.memory_space<hbm>> -> memref<10000x128xf32, #tpu.memory_space<hbm>>
        tpu.enqueue_indirect_dma source(%dma_start3A_34 : memref<10000x128xf32, #tpu.memory_space<hbm>>) target(%arg10 : memref<128x128xf32, #tpu.memory_space<vmem>>) offsets(%dma_start3A_31 : memref<128xi32, #tpu.memory_space<vmem>>) semaphore(%run_scoped3A : memref<!tpu.dma_semaphore, #tpu.memory_space<semaphore_mem>>)
        %dma_wait3A = arith.constant 0 : i32
        %dma_wait3A_35 = tpu.memref_slice %arg8[%add3A_29, %dma_wait3A] : memref<79x128xi32, #tpu.memory_space<vmem>> -> memref<1x128xi32, #tpu.memory_space<vmem>>
        %dma_wait3A_36 = tpu.memref_squeeze %dma_wait3A_35 : memref<1x128xi32, #tpu.memory_space<vmem>> -> memref<128xi32, #tpu.memory_space<vmem>>
        %dma_wait3A_37 = arith.constant 0 : i32
        %dma_wait3A_38 = arith.constant 0 : i32
        %dma_wait3A_39 = tpu.memref_slice %arg2[%dma_wait3A_37, %dma_wait3A_38] : memref<10000x128xf32, #tpu.memory_space<hbm>> -> memref<10000x128xf32, #tpu.memory_space<hbm>>
        tpu.wait_indirect_dma semaphore(%run_scoped3A : memref<!tpu.dma_semaphore, #tpu.memory_space<semaphore_mem>>) src(%dma_wait3A_39 : memref<10000x128xf32, #tpu.memory_space<hbm>>) dst(%arg10 : memref<128x128xf32, #tpu.memory_space<vmem>>)
        tpu.yield
      }) : () -> ()
      "tpu.region"() ({
        %run_scoped3A = tpu.sem_alloc : memref<!tpu.dma_semaphore, #tpu.memory_space<semaphore_mem>>
        %dma_start3A = arith.constant 0 : i32
        %dma_start3A_30 = tpu.memref_slice %arg9[%add3A_29, %dma_start3A] : memref<79x128xi32, #tpu.memory_space<vmem>> -> memref<1x128xi32, #tpu.memory_space<vmem>>
        %dma_start3A_31 = tpu.memref_squeeze %dma_start3A_30 : memref<1x128xi32, #tpu.memory_space<vmem>> -> memref<128xi32, #tpu.memory_space<vmem>>
        %dma_start3A_32 = arith.constant 0 : i32
        %dma_start3A_33 = arith.constant 0 : i32
        %dma_start3A_34 = tpu.memref_slice %arg11[%dma_start3A_32, %dma_start3A_33] : memref<10240x128xf32, #tpu.memory_space<vmem_shared>> -> memref<10240x128xf32, #tpu.memory_space<vmem_shared>>
        tpu.enqueue_indirect_dma source(%arg10 : memref<128x128xf32, #tpu.memory_space<vmem>>) target(%dma_start3A_34 : memref<10240x128xf32, #tpu.memory_space<vmem_shared>>) offsets(%dma_start3A_31 : memref<128xi32, #tpu.memory_space<vmem>>) semaphore(%run_scoped3A : memref<!tpu.dma_semaphore, #tpu.memory_space<semaphore_mem>>) {add = true}
        %dma_wait3A = arith.constant 0 : i32
        %dma_wait3A_35 = tpu.memref_slice %arg9[%add3A_29, %dma_wait3A] : memref<79x128xi32, #tpu.memory_space<vmem>> -> memref<1x128xi32, #tpu.memory_space<vmem>>
        %dma_wait3A_36 = tpu.memref_squeeze %dma_wait3A_35 : memref<1x128xi32, #tpu.memory_space<vmem>> -> memref<128xi32, #tpu.memory_space<vmem>>
        %dma_wait3A_37 = arith.constant 0 : i32
        %dma_wait3A_38 = arith.constant 0 : i32
        %dma_wait3A_39 = tpu.memref_slice %arg11[%dma_wait3A_37, %dma_wait3A_38] : memref<10240x128xf32, #tpu.memory_space<vmem_shared>> -> memref<10240x128xf32, #tpu.memory_space<vmem_shared>>
        tpu.wait_indirect_dma semaphore(%run_scoped3A : memref<!tpu.dma_semaphore, #tpu.memory_space<semaphore_mem>>) src(%arg10 : memref<128x128xf32, #tpu.memory_space<vmem>>) dst(%dma_wait3A_39 : memref<10240x128xf32, #tpu.memory_space<vmem_shared>>)
        tpu.yield
      }) : () -> ()
    }
    %scan3A_16 = arith.constant 79 : i32
    %barrier3A_17 = arith.constant 0 : index
    tpu.barrier barrier_id(%barrier3A_17)
    %eq3A = arith.constant 0 : i32
    %eq3A_18 = arith.cmpi eq, %arg0, %eq3A : i32
    %convert_element_type3A = arith.extui %eq3A_18 : i1 to i32
    %cond3A = arith.constant 0 : i32
    %cond3A_19 = arith.cmpi ne, %convert_element_type3A, %cond3A : i32
    scf.if %cond3A_19 {
      "tpu.region"() ({
        %run_scoped3A = tpu.sem_alloc : memref<!tpu.dma_semaphore, #tpu.memory_space<semaphore_mem>>
        %dma_start3A = arith.constant 0 : i32
        %dma_start3A_25 = tpu.memref_slice %arg6[%mul3A_2, %dma_start3A] : memref<10240x128xf32, #tpu.memory_space<hbm>> -> memref<640x128xf32, #tpu.memory_space<hbm>>
        %dma_start3A_26 = arith.constant 0 : i32
        %dma_start3A_27 = tpu.memref_slice %arg11[%mul3A_2, %dma_start3A_26] : memref<10240x128xf32, #tpu.memory_space<vmem_shared>> -> memref<640x128xf32, #tpu.memory_space<vmem_shared>>
        tpu.enqueue_dma source(%dma_start3A_27 : memref<640x128xf32, #tpu.memory_space<vmem_shared>>) target(%dma_start3A_25 : memref<640x128xf32, #tpu.memory_space<hbm>>) target_semaphore(%run_scoped3A : memref<!tpu.dma_semaphore, #tpu.memory_space<semaphore_mem>>)
        %dma_wait3A = arith.constant 0 : i32
        %dma_wait3A_28 = tpu.memref_slice %arg6[%mul3A_2, %dma_wait3A] : memref<10240x128xf32, #tpu.memory_space<hbm>> -> memref<640x128xf32, #tpu.memory_space<hbm>>
        %dma_wait3A_29 = arith.constant 0 : i32
        %dma_wait3A_30 = tpu.memref_slice %arg11[%mul3A_2, %dma_wait3A_29] : memref<10240x128xf32, #tpu.memory_space<vmem_shared>> -> memref<640x128xf32, #tpu.memory_space<vmem_shared>>
        tpu.wait_dma2 semaphore(%run_scoped3A : memref<!tpu.dma_semaphore, #tpu.memory_space<semaphore_mem>>) src(%dma_wait3A_30 : memref<640x128xf32, #tpu.memory_space<vmem_shared>>) dst(%dma_wait3A_28 : memref<640x128xf32, #tpu.memory_space<hbm>>)
        tpu.yield
      }) : () -> ()
    } else {
    }
    %eq3A_20 = arith.constant 1 : i32
    %eq3A_21 = arith.cmpi eq, %arg0, %eq3A_20 : i32
    %convert_element_type3A_22 = arith.extui %eq3A_21 : i1 to i32
    %cond3A_23 = arith.constant 0 : i32
    %cond3A_24 = arith.cmpi ne, %convert_element_type3A_22, %cond3A_23 : i32
    scf.if %cond3A_24 {
      "tpu.region"() ({
        %run_scoped3A = tpu.sem_alloc : memref<!tpu.dma_semaphore, #tpu.memory_space<semaphore_mem>>
        %dma_start3A = arith.constant 0 : i32
        %dma_start3A_25 = tpu.memref_slice %arg7[%mul3A_2, %dma_start3A] : memref<10240x128xf32, #tpu.memory_space<hbm>> -> memref<640x128xf32, #tpu.memory_space<hbm>>
        %dma_start3A_26 = arith.constant 0 : i32
        %dma_start3A_27 = tpu.memref_slice %arg11[%mul3A_2, %dma_start3A_26] : memref<10240x128xf32, #tpu.memory_space<vmem_shared>> -> memref<640x128xf32, #tpu.memory_space<vmem_shared>>
        tpu.enqueue_dma source(%dma_start3A_27 : memref<640x128xf32, #tpu.memory_space<vmem_shared>>) target(%dma_start3A_25 : memref<640x128xf32, #tpu.memory_space<hbm>>) target_semaphore(%run_scoped3A : memref<!tpu.dma_semaphore, #tpu.memory_space<semaphore_mem>>)
        %dma_wait3A = arith.constant 0 : i32
        %dma_wait3A_28 = tpu.memref_slice %arg7[%mul3A_2, %dma_wait3A] : memref<10240x128xf32, #tpu.memory_space<hbm>> -> memref<640x128xf32, #tpu.memory_space<hbm>>
        %dma_wait3A_29 = arith.constant 0 : i32
        %dma_wait3A_30 = tpu.memref_slice %arg11[%mul3A_2, %dma_wait3A_29] : memref<10240x128xf32, #tpu.memory_space<vmem_shared>> -> memref<640x128xf32, #tpu.memory_space<vmem_shared>>
        tpu.wait_dma2 semaphore(%run_scoped3A : memref<!tpu.dma_semaphore, #tpu.memory_space<semaphore_mem>>) src(%dma_wait3A_30 : memref<640x128xf32, #tpu.memory_space<vmem_shared>>) dst(%dma_wait3A_28 : memref<640x128xf32, #tpu.memory_space<hbm>>)
        tpu.yield
      }) : () -> ()
    } else {
    }
    return
  }
}

#map = affine_map<(d0, d1) -> (0, 0)>
#map1 = affine_map<(d0, d1) -> (0, 0, 0)>
module attributes {stable_mosaic.version = 14 : i64} {
  func.func @_sc_agg_kernel(%arg0: i32, %arg1: i32, %arg2: memref<10000x128xf32, #tpu.memory_space<hbm>>, %arg3: memref<32x79x128xi32, #tpu.memory_space<hbm>>, %arg4: memref<32x79x128xi32, #tpu.memory_space<hbm>>, %arg5: memref<128x128xf32, #tpu.memory_space<hbm>>, %arg6: memref<10240x128xf32, #tpu.memory_space<hbm>>, %arg7: memref<10240x128xf32, #tpu.memory_space<hbm>>, %arg8: memref<79x128xi32, #tpu.memory_space<vmem>>, %arg9: memref<79x128xi32, #tpu.memory_space<vmem>>, %arg10: memref<128x128xf32, #tpu.memory_space<vmem>>, %arg11: memref<10240x128xf32, #tpu.memory_space<vmem_shared>>) attributes {dimension_semantics = [#tpu.dimension_semantics<core_parallel>, #tpu.dimension_semantics<subcore_parallel>], iteration_bounds = array<i64: 2, 16>, scalar_prefetch = 0 : i64, scratch_operands = 4 : i64, tpu.core_type = #tpu.core_type<sc_vector_subcore>, window_params = [{transform_indices = #map}, {transform_indices = #map1}, {transform_indices = #map1}, {transform_indices = #map}, {transform_indices = #map}, {transform_indices = #map}]} {
    %mul3A = arith.constant 2 : i32
    %mul3A_0 = arith.muli %arg1, %mul3A : i32
    %add3A = arith.addi %mul3A_0, %arg0 : i32
    %mul3A_1 = arith.constant 640 : i32
    %mul3A_2 = arith.muli %arg1, %mul3A_1 : i32
    %add3A_3 = arith.constant 0 : i32
    %add3A_4 = arith.addi %mul3A_2, %add3A_3 : i32
    "tpu.region"() ({
      %run_scoped3A = tpu.sem_alloc : memref<!tpu.dma_semaphore, #tpu.memory_space<semaphore_mem>>
      %dma_start3A = arith.constant 0 : i32
      %dma_start3A_25 = tpu.memref_slice %arg11[%add3A_4, %dma_start3A] : memref<10240x128xf32, #tpu.memory_space<vmem_shared>> -> memref<128x128xf32, #tpu.memory_space<vmem_shared>>
      tpu.enqueue_dma source(%arg5 : memref<128x128xf32, #tpu.memory_space<hbm>>) target(%dma_start3A_25 : memref<128x128xf32, #tpu.memory_space<vmem_shared>>) target_semaphore(%run_scoped3A : memref<!tpu.dma_semaphore, #tpu.memory_space<semaphore_mem>>)
      %dma_wait3A = arith.constant 0 : i32
      %dma_wait3A_26 = tpu.memref_slice %arg11[%add3A_4, %dma_wait3A] : memref<10240x128xf32, #tpu.memory_space<vmem_shared>> -> memref<128x128xf32, #tpu.memory_space<vmem_shared>>
      tpu.wait_dma2 semaphore(%run_scoped3A : memref<!tpu.dma_semaphore, #tpu.memory_space<semaphore_mem>>) src(%arg5 : memref<128x128xf32, #tpu.memory_space<hbm>>) dst(%dma_wait3A_26 : memref<128x128xf32, #tpu.memory_space<vmem_shared>>)
      tpu.yield
    }) : () -> ()
    %add3A_5 = arith.constant 128 : i32
    %add3A_6 = arith.addi %mul3A_2, %add3A_5 : i32
    "tpu.region"() ({
      %run_scoped3A = tpu.sem_alloc : memref<!tpu.dma_semaphore, #tpu.memory_space<semaphore_mem>>
      %dma_start3A = arith.constant 0 : i32
      %dma_start3A_25 = tpu.memref_slice %arg11[%add3A_6, %dma_start3A] : memref<10240x128xf32, #tpu.memory_space<vmem_shared>> -> memref<128x128xf32, #tpu.memory_space<vmem_shared>>
      tpu.enqueue_dma source(%arg5 : memref<128x128xf32, #tpu.memory_space<hbm>>) target(%dma_start3A_25 : memref<128x128xf32, #tpu.memory_space<vmem_shared>>) target_semaphore(%run_scoped3A : memref<!tpu.dma_semaphore, #tpu.memory_space<semaphore_mem>>)
      %dma_wait3A = arith.constant 0 : i32
      %dma_wait3A_26 = tpu.memref_slice %arg11[%add3A_6, %dma_wait3A] : memref<10240x128xf32, #tpu.memory_space<vmem_shared>> -> memref<128x128xf32, #tpu.memory_space<vmem_shared>>
      tpu.wait_dma2 semaphore(%run_scoped3A : memref<!tpu.dma_semaphore, #tpu.memory_space<semaphore_mem>>) src(%arg5 : memref<128x128xf32, #tpu.memory_space<hbm>>) dst(%dma_wait3A_26 : memref<128x128xf32, #tpu.memory_space<vmem_shared>>)
      tpu.yield
    }) : () -> ()
    %add3A_7 = arith.constant 256 : i32
    %add3A_8 = arith.addi %mul3A_2, %add3A_7 : i32
    "tpu.region"() ({
      %run_scoped3A = tpu.sem_alloc : memref<!tpu.dma_semaphore, #tpu.memory_space<semaphore_mem>>
      %dma_start3A = arith.constant 0 : i32
      %dma_start3A_25 = tpu.memref_slice %arg11[%add3A_8, %dma_start3A] : memref<10240x128xf32, #tpu.memory_space<vmem_shared>> -> memref<128x128xf32, #tpu.memory_space<vmem_shared>>
      tpu.enqueue_dma source(%arg5 : memref<128x128xf32, #tpu.memory_space<hbm>>) target(%dma_start3A_25 : memref<128x128xf32, #tpu.memory_space<vmem_shared>>) target_semaphore(%run_scoped3A : memref<!tpu.dma_semaphore, #tpu.memory_space<semaphore_mem>>)
      %dma_wait3A = arith.constant 0 : i32
      %dma_wait3A_26 = tpu.memref_slice %arg11[%add3A_8, %dma_wait3A] : memref<10240x128xf32, #tpu.memory_space<vmem_shared>> -> memref<128x128xf32, #tpu.memory_space<vmem_shared>>
      tpu.wait_dma2 semaphore(%run_scoped3A : memref<!tpu.dma_semaphore, #tpu.memory_space<semaphore_mem>>) src(%arg5 : memref<128x128xf32, #tpu.memory_space<hbm>>) dst(%dma_wait3A_26 : memref<128x128xf32, #tpu.memory_space<vmem_shared>>)
      tpu.yield
    }) : () -> ()
    %add3A_9 = arith.constant 384 : i32
    %add3A_10 = arith.addi %mul3A_2, %add3A_9 : i32
    "tpu.region"() ({
      %run_scoped3A = tpu.sem_alloc : memref<!tpu.dma_semaphore, #tpu.memory_space<semaphore_mem>>
      %dma_start3A = arith.constant 0 : i32
      %dma_start3A_25 = tpu.memref_slice %arg11[%add3A_10, %dma_start3A] : memref<10240x128xf32, #tpu.memory_space<vmem_shared>> -> memref<128x128xf32, #tpu.memory_space<vmem_shared>>
      tpu.enqueue_dma source(%arg5 : memref<128x128xf32, #tpu.memory_space<hbm>>) target(%dma_start3A_25 : memref<128x128xf32, #tpu.memory_space<vmem_shared>>) target_semaphore(%run_scoped3A : memref<!tpu.dma_semaphore, #tpu.memory_space<semaphore_mem>>)
      %dma_wait3A = arith.constant 0 : i32
      %dma_wait3A_26 = tpu.memref_slice %arg11[%add3A_10, %dma_wait3A] : memref<10240x128xf32, #tpu.memory_space<vmem_shared>> -> memref<128x128xf32, #tpu.memory_space<vmem_shared>>
      tpu.wait_dma2 semaphore(%run_scoped3A : memref<!tpu.dma_semaphore, #tpu.memory_space<semaphore_mem>>) src(%arg5 : memref<128x128xf32, #tpu.memory_space<hbm>>) dst(%dma_wait3A_26 : memref<128x128xf32, #tpu.memory_space<vmem_shared>>)
      tpu.yield
    }) : () -> ()
    %add3A_11 = arith.constant 512 : i32
    %add3A_12 = arith.addi %mul3A_2, %add3A_11 : i32
    "tpu.region"() ({
      %run_scoped3A = tpu.sem_alloc : memref<!tpu.dma_semaphore, #tpu.memory_space<semaphore_mem>>
      %dma_start3A = arith.constant 0 : i32
      %dma_start3A_25 = tpu.memref_slice %arg11[%add3A_12, %dma_start3A] : memref<10240x128xf32, #tpu.memory_space<vmem_shared>> -> memref<128x128xf32, #tpu.memory_space<vmem_shared>>
      tpu.enqueue_dma source(%arg5 : memref<128x128xf32, #tpu.memory_space<hbm>>) target(%dma_start3A_25 : memref<128x128xf32, #tpu.memory_space<vmem_shared>>) target_semaphore(%run_scoped3A : memref<!tpu.dma_semaphore, #tpu.memory_space<semaphore_mem>>)
      %dma_wait3A = arith.constant 0 : i32
      %dma_wait3A_26 = tpu.memref_slice %arg11[%add3A_12, %dma_wait3A] : memref<10240x128xf32, #tpu.memory_space<vmem_shared>> -> memref<128x128xf32, #tpu.memory_space<vmem_shared>>
      tpu.wait_dma2 semaphore(%run_scoped3A : memref<!tpu.dma_semaphore, #tpu.memory_space<semaphore_mem>>) src(%arg5 : memref<128x128xf32, #tpu.memory_space<hbm>>) dst(%dma_wait3A_26 : memref<128x128xf32, #tpu.memory_space<vmem_shared>>)
      tpu.yield
    }) : () -> ()
    %barrier3A = arith.constant 0 : index
    tpu.barrier barrier_id(%barrier3A)
    "tpu.region"() ({
      %run_scoped3A = tpu.sem_alloc : memref<!tpu.dma_semaphore, #tpu.memory_space<semaphore_mem>>
      %dma_start3A = arith.constant 0 : i32
      %dma_start3A_25 = arith.constant 0 : i32
      %dma_start3A_26 = tpu.memref_slice %arg3[%add3A, %dma_start3A, %dma_start3A_25] : memref<32x79x128xi32, #tpu.memory_space<hbm>> -> memref<1x79x128xi32, #tpu.memory_space<hbm>>
      %dma_start3A_27 = tpu.memref_squeeze %dma_start3A_26 : memref<1x79x128xi32, #tpu.memory_space<hbm>> -> memref<79x128xi32, #tpu.memory_space<hbm>>
      %dma_start3A_28 = arith.constant 0 : i32
      %dma_start3A_29 = arith.constant 0 : i32
      %dma_start3A_30 = tpu.memref_slice %arg3[%add3A, %dma_start3A_28, %dma_start3A_29] : memref<32x79x128xi32, #tpu.memory_space<hbm>> -> memref<1x79x128xi32, #tpu.memory_space<hbm>>
      %dma_start3A_31 = tpu.memref_squeeze %dma_start3A_30 : memref<1x79x128xi32, #tpu.memory_space<hbm>> -> memref<79x128xi32, #tpu.memory_space<hbm>>
      tpu.enqueue_dma source(%dma_start3A_31 : memref<79x128xi32, #tpu.memory_space<hbm>>) target(%arg8 : memref<79x128xi32, #tpu.memory_space<vmem>>) target_semaphore(%run_scoped3A : memref<!tpu.dma_semaphore, #tpu.memory_space<semaphore_mem>>)
      %dma_wait3A = arith.constant 0 : i32
      %dma_wait3A_32 = arith.constant 0 : i32
      %dma_wait3A_33 = tpu.memref_slice %arg3[%add3A, %dma_wait3A, %dma_wait3A_32] : memref<32x79x128xi32, #tpu.memory_space<hbm>> -> memref<1x79x128xi32, #tpu.memory_space<hbm>>
      %dma_wait3A_34 = tpu.memref_squeeze %dma_wait3A_33 : memref<1x79x128xi32, #tpu.memory_space<hbm>> -> memref<79x128xi32, #tpu.memory_space<hbm>>
      %dma_wait3A_35 = arith.constant 0 : i32
      %dma_wait3A_36 = arith.constant 0 : i32
      %dma_wait3A_37 = tpu.memref_slice %arg3[%add3A, %dma_wait3A_35, %dma_wait3A_36] : memref<32x79x128xi32, #tpu.memory_space<hbm>> -> memref<1x79x128xi32, #tpu.memory_space<hbm>>
      %dma_wait3A_38 = tpu.memref_squeeze %dma_wait3A_37 : memref<1x79x128xi32, #tpu.memory_space<hbm>> -> memref<79x128xi32, #tpu.memory_space<hbm>>
      tpu.wait_dma2 semaphore(%run_scoped3A : memref<!tpu.dma_semaphore, #tpu.memory_space<semaphore_mem>>) src(%dma_wait3A_38 : memref<79x128xi32, #tpu.memory_space<hbm>>) dst(%arg8 : memref<79x128xi32, #tpu.memory_space<vmem>>)
      tpu.yield
    }) : () -> ()
    "tpu.region"() ({
      %run_scoped3A = tpu.sem_alloc : memref<!tpu.dma_semaphore, #tpu.memory_space<semaphore_mem>>
      %dma_start3A = arith.constant 0 : i32
      %dma_start3A_25 = arith.constant 0 : i32
      %dma_start3A_26 = tpu.memref_slice %arg4[%add3A, %dma_start3A, %dma_start3A_25] : memref<32x79x128xi32, #tpu.memory_space<hbm>> -> memref<1x79x128xi32, #tpu.memory_space<hbm>>
      %dma_start3A_27 = tpu.memref_squeeze %dma_start3A_26 : memref<1x79x128xi32, #tpu.memory_space<hbm>> -> memref<79x128xi32, #tpu.memory_space<hbm>>
      %dma_start3A_28 = arith.constant 0 : i32
      %dma_start3A_29 = arith.constant 0 : i32
      %dma_start3A_30 = tpu.memref_slice %arg4[%add3A, %dma_start3A_28, %dma_start3A_29] : memref<32x79x128xi32, #tpu.memory_space<hbm>> -> memref<1x79x128xi32, #tpu.memory_space<hbm>>
      %dma_start3A_31 = tpu.memref_squeeze %dma_start3A_30 : memref<1x79x128xi32, #tpu.memory_space<hbm>> -> memref<79x128xi32, #tpu.memory_space<hbm>>
      tpu.enqueue_dma source(%dma_start3A_31 : memref<79x128xi32, #tpu.memory_space<hbm>>) target(%arg9 : memref<79x128xi32, #tpu.memory_space<vmem>>) target_semaphore(%run_scoped3A : memref<!tpu.dma_semaphore, #tpu.memory_space<semaphore_mem>>)
      %dma_wait3A = arith.constant 0 : i32
      %dma_wait3A_32 = arith.constant 0 : i32
      %dma_wait3A_33 = tpu.memref_slice %arg4[%add3A, %dma_wait3A, %dma_wait3A_32] : memref<32x79x128xi32, #tpu.memory_space<hbm>> -> memref<1x79x128xi32, #tpu.memory_space<hbm>>
      %dma_wait3A_34 = tpu.memref_squeeze %dma_wait3A_33 : memref<1x79x128xi32, #tpu.memory_space<hbm>> -> memref<79x128xi32, #tpu.memory_space<hbm>>
      %dma_wait3A_35 = arith.constant 0 : i32
      %dma_wait3A_36 = arith.constant 0 : i32
      %dma_wait3A_37 = tpu.memref_slice %arg4[%add3A, %dma_wait3A_35, %dma_wait3A_36] : memref<32x79x128xi32, #tpu.memory_space<hbm>> -> memref<1x79x128xi32, #tpu.memory_space<hbm>>
      %dma_wait3A_38 = tpu.memref_squeeze %dma_wait3A_37 : memref<1x79x128xi32, #tpu.memory_space<hbm>> -> memref<79x128xi32, #tpu.memory_space<hbm>>
      tpu.wait_dma2 semaphore(%run_scoped3A : memref<!tpu.dma_semaphore, #tpu.memory_space<semaphore_mem>>) src(%dma_wait3A_38 : memref<79x128xi32, #tpu.memory_space<hbm>>) dst(%arg9 : memref<79x128xi32, #tpu.memory_space<vmem>>)
      tpu.yield
    }) : () -> ()
    %scan3A = arith.constant 0 : i32
    %scan3A_13 = arith.constant 79 : i32
    %scan3A_14 = arith.addi %scan3A, %scan3A_13 : i32
    %scan3A_15 = arith.constant 1 : i32
    scf.for %scan3A_25 = %scan3A to %scan3A_14 step %scan3A_15  : i32 {
      %mul3A_26 = arith.constant 1 : i32
      %mul3A_27 = arith.muli %scan3A_25, %mul3A_26 : i32
      %add3A_28 = arith.constant 0 : i32
      %add3A_29 = arith.addi %add3A_28, %mul3A_27 : i32
      "tpu.region"() ({
        %run_scoped3A = tpu.sem_alloc : memref<!tpu.dma_semaphore, #tpu.memory_space<semaphore_mem>>
        %dma_start3A = arith.constant 0 : i32
        %dma_start3A_30 = tpu.memref_slice %arg8[%add3A_29, %dma_start3A] : memref<79x128xi32, #tpu.memory_space<vmem>> -> memref<1x128xi32, #tpu.memory_space<vmem>>
        %dma_start3A_31 = tpu.memref_squeeze %dma_start3A_30 : memref<1x128xi32, #tpu.memory_space<vmem>> -> memref<128xi32, #tpu.memory_space<vmem>>
        %dma_start3A_32 = arith.constant 0 : i32
        %dma_start3A_33 = arith.constant 0 : i32
        %dma_start3A_34 = tpu.memref_slice %arg2[%dma_start3A_32, %dma_start3A_33] : memref<10000x128xf32, #tpu.memory_space<hbm>> -> memref<10000x128xf32, #tpu.memory_space<hbm>>
        tpu.enqueue_indirect_dma source(%dma_start3A_34 : memref<10000x128xf32, #tpu.memory_space<hbm>>) target(%arg10 : memref<128x128xf32, #tpu.memory_space<vmem>>) offsets(%dma_start3A_31 : memref<128xi32, #tpu.memory_space<vmem>>) semaphore(%run_scoped3A : memref<!tpu.dma_semaphore, #tpu.memory_space<semaphore_mem>>)
        %dma_wait3A = arith.constant 0 : i32
        %dma_wait3A_35 = tpu.memref_slice %arg8[%add3A_29, %dma_wait3A] : memref<79x128xi32, #tpu.memory_space<vmem>> -> memref<1x128xi32, #tpu.memory_space<vmem>>
        %dma_wait3A_36 = tpu.memref_squeeze %dma_wait3A_35 : memref<1x128xi32, #tpu.memory_space<vmem>> -> memref<128xi32, #tpu.memory_space<vmem>>
        %dma_wait3A_37 = arith.constant 0 : i32
        %dma_wait3A_38 = arith.constant 0 : i32
        %dma_wait3A_39 = tpu.memref_slice %arg2[%dma_wait3A_37, %dma_wait3A_38] : memref<10000x128xf32, #tpu.memory_space<hbm>> -> memref<10000x128xf32, #tpu.memory_space<hbm>>
        tpu.wait_indirect_dma semaphore(%run_scoped3A : memref<!tpu.dma_semaphore, #tpu.memory_space<semaphore_mem>>) src(%dma_wait3A_39 : memref<10000x128xf32, #tpu.memory_space<hbm>>) dst(%arg10 : memref<128x128xf32, #tpu.memory_space<vmem>>)
        tpu.yield
      }) : () -> ()
      "tpu.region"() ({
        %run_scoped3A = tpu.sem_alloc : memref<!tpu.dma_semaphore, #tpu.memory_space<semaphore_mem>>
        %dma_start3A = arith.constant 0 : i32
        %dma_start3A_30 = tpu.memref_slice %arg9[%add3A_29, %dma_start3A] : memref<79x128xi32, #tpu.memory_space<vmem>> -> memref<1x128xi32, #tpu.memory_space<vmem>>
        %dma_start3A_31 = tpu.memref_squeeze %dma_start3A_30 : memref<1x128xi32, #tpu.memory_space<vmem>> -> memref<128xi32, #tpu.memory_space<vmem>>
        %dma_start3A_32 = arith.constant 0 : i32
        %dma_start3A_33 = arith.constant 0 : i32
        %dma_start3A_34 = tpu.memref_slice %arg11[%dma_start3A_32, %dma_start3A_33] : memref<10240x128xf32, #tpu.memory_space<vmem_shared>> -> memref<10240x128xf32, #tpu.memory_space<vmem_shared>>
        tpu.enqueue_indirect_dma source(%arg10 : memref<128x128xf32, #tpu.memory_space<vmem>>) target(%dma_start3A_34 : memref<10240x128xf32, #tpu.memory_space<vmem_shared>>) offsets(%dma_start3A_31 : memref<128xi32, #tpu.memory_space<vmem>>) semaphore(%run_scoped3A : memref<!tpu.dma_semaphore, #tpu.memory_space<semaphore_mem>>) {add = true}
        %dma_wait3A = arith.constant 0 : i32
        %dma_wait3A_35 = tpu.memref_slice %arg9[%add3A_29, %dma_wait3A] : memref<79x128xi32, #tpu.memory_space<vmem>> -> memref<1x128xi32, #tpu.memory_space<vmem>>
        %dma_wait3A_36 = tpu.memref_squeeze %dma_wait3A_35 : memref<1x128xi32, #tpu.memory_space<vmem>> -> memref<128xi32, #tpu.memory_space<vmem>>
        %dma_wait3A_37 = arith.constant 0 : i32
        %dma_wait3A_38 = arith.constant 0 : i32
        %dma_wait3A_39 = tpu.memref_slice %arg11[%dma_wait3A_37, %dma_wait3A_38] : memref<10240x128xf32, #tpu.memory_space<vmem_shared>> -> memref<10240x128xf32, #tpu.memory_space<vmem_shared>>
        tpu.wait_indirect_dma semaphore(%run_scoped3A : memref<!tpu.dma_semaphore, #tpu.memory_space<semaphore_mem>>) src(%arg10 : memref<128x128xf32, #tpu.memory_space<vmem>>) dst(%dma_wait3A_39 : memref<10240x128xf32, #tpu.memory_space<vmem_shared>>)
        tpu.yield
      }) : () -> ()
    }
    %scan3A_16 = arith.constant 79 : i32
    %barrier3A_17 = arith.constant 0 : index
    tpu.barrier barrier_id(%barrier3A_17)
    %eq3A = arith.constant 0 : i32
    %eq3A_18 = arith.cmpi eq, %arg0, %eq3A : i32
    %convert_element_type3A = arith.extui %eq3A_18 : i1 to i32
    %cond3A = arith.constant 0 : i32
    %cond3A_19 = arith.cmpi ne, %convert_element_type3A, %cond3A : i32
    scf.if %cond3A_19 {
      "tpu.region"() ({
        %run_scoped3A = tpu.sem_alloc : memref<!tpu.dma_semaphore, #tpu.memory_space<semaphore_mem>>
        %dma_start3A = arith.constant 0 : i32
        %dma_start3A_25 = tpu.memref_slice %arg6[%mul3A_2, %dma_start3A] : memref<10240x128xf32, #tpu.memory_space<hbm>> -> memref<640x128xf32, #tpu.memory_space<hbm>>
        %dma_start3A_26 = arith.constant 0 : i32
        %dma_start3A_27 = tpu.memref_slice %arg11[%mul3A_2, %dma_start3A_26] : memref<10240x128xf32, #tpu.memory_space<vmem_shared>> -> memref<640x128xf32, #tpu.memory_space<vmem_shared>>
        tpu.enqueue_dma source(%dma_start3A_27 : memref<640x128xf32, #tpu.memory_space<vmem_shared>>) target(%dma_start3A_25 : memref<640x128xf32, #tpu.memory_space<hbm>>) target_semaphore(%run_scoped3A : memref<!tpu.dma_semaphore, #tpu.memory_space<semaphore_mem>>)
        %dma_wait3A = arith.constant 0 : i32
        %dma_wait3A_28 = tpu.memref_slice %arg6[%mul3A_2, %dma_wait3A] : memref<10240x128xf32, #tpu.memory_space<hbm>> -> memref<640x128xf32, #tpu.memory_space<hbm>>
        %dma_wait3A_29 = arith.constant 0 : i32
        %dma_wait3A_30 = tpu.memref_slice %arg11[%mul3A_2, %dma_wait3A_29] : memref<10240x128xf32, #tpu.memory_space<vmem_shared>> -> memref<640x128xf32, #tpu.memory_space<vmem_shared>>
        tpu.wait_dma2 semaphore(%run_scoped3A : memref<!tpu.dma_semaphore, #tpu.memory_space<semaphore_mem>>) src(%dma_wait3A_30 : memref<640x128xf32, #tpu.memory_space<vmem_shared>>) dst(%dma_wait3A_28 : memref<640x128xf32, #tpu.memory_space<hbm>>)
        tpu.yield
      }) : () -> ()
    } else {
    }
    %eq3A_20 = arith.constant 1 : i32
    %eq3A_21 = arith.cmpi eq, %arg0, %eq3A_20 : i32
    %convert_element_type3A_22 = arith.extui %eq3A_21 : i1 to i32
    %cond3A_23 = arith.constant 0 : i32
    %cond3A_24 = arith.cmpi ne, %convert_element_type3A_22, %cond3A_23 : i32
    scf.if %cond3A_24 {
      "tpu.region"() ({
        %run_scoped3A = tpu.sem_alloc : memref<!tpu.dma_semaphore, #tpu.memory_space<semaphore_mem>>
        %dma_start3A = arith.constant 0 : i32
        %dma_start3A_25 = tpu.memref_slice %arg7[%mul3A_2, %dma_start3A] : memref<10240x128xf32, #tpu.memory_space<hbm>> -> memref<640x128xf32, #tpu.memory_space<hbm>>
        %dma_start3A_26 = arith.constant 0 : i32
        %dma_start3A_27 = tpu.memref_slice %arg11[%mul3A_2, %dma_start3A_26] : memref<10240x128xf32, #tpu.memory_space<vmem_shared>> -> memref<640x128xf32, #tpu.memory_space<vmem_shared>>
        tpu.enqueue_dma source(%dma_start3A_27 : memref<640x128xf32, #tpu.memory_space<vmem_shared>>) target(%dma_start3A_25 : memref<640x128xf32, #tpu.memory_space<hbm>>) target_semaphore(%run_scoped3A : memref<!tpu.dma_semaphore, #tpu.memory_space<semaphore_mem>>)
        %dma_wait3A = arith.constant 0 : i32
        %dma_wait3A_28 = tpu.memref_slice %arg7[%mul3A_2, %dma_wait3A] : memref<10240x128xf32, #tpu.memory_space<hbm>> -> memref<640x128xf32, #tpu.memory_space<hbm>>
        %dma_wait3A_29 = arith.constant 0 : i32
        %dma_wait3A_30 = tpu.memref_slice %arg11[%mul3A_2, %dma_wait3A_29] : memref<10240x128xf32, #tpu.memory_space<vmem_shared>> -> memref<640x128xf32, #tpu.memory_space<vmem_shared>>
        tpu.wait_dma2 semaphore(%run_scoped3A : memref<!tpu.dma_semaphore, #tpu.memory_space<semaphore_mem>>) src(%dma_wait3A_30 : memref<640x128xf32, #tpu.memory_space<vmem_shared>>) dst(%dma_wait3A_28 : memref<640x128xf32, #tpu.memory_space<hbm>>)
        tpu.yield
      }) : () -> ()
    } else {
    }
    return
  }
}

module attributes {stable_mosaic.version = 14 : i64} {
  func.func @_mlp_body(%arg0: i32, %arg1: memref<1000x128xf32, #tpu.memory_space<vmem>>, %arg2: memref<1000x128xf32, #tpu.memory_space<vmem>>, %arg3: memref<1000x128xf32, #tpu.memory_space<vmem>>, %arg4: memref<128x128xf32, #tpu.memory_space<vmem>>, %arg5: memref<1x128xf32, #tpu.memory_space<vmem>>, %arg6: memref<128x128xf32, #tpu.memory_space<vmem>>, %arg7: memref<1x128xf32, #tpu.memory_space<vmem>>, %arg8: memref<1000x128xf32, #tpu.memory_space<vmem>>) attributes {dimension_semantics = [#tpu.dimension_semantics<arbitrary>], iteration_bounds = array<i64: 10>, scalar_prefetch = 0 : i64, scratch_operands = 0 : i64, tpu.core_type = #tpu.core_type<tc>, window_params = [{transform_indices = @transform_0, window_bounds = array<i64: 1000, 128>}, {transform_indices = @transform_1, window_bounds = array<i64: 1000, 128>}, {transform_indices = @transform_2, window_bounds = array<i64: 1000, 128>}, {pipeline_mode = #tpu.pipeline_mode<synchronous>, transform_indices = @transform_3, window_bounds = array<i64: 128, 128>}, {pipeline_mode = #tpu.pipeline_mode<synchronous>, transform_indices = @transform_4, window_bounds = array<i64: 1, 128>}, {pipeline_mode = #tpu.pipeline_mode<synchronous>, transform_indices = @transform_5, window_bounds = array<i64: 128, 128>}, {pipeline_mode = #tpu.pipeline_mode<synchronous>, transform_indices = @transform_6, window_bounds = array<i64: 1, 128>}, {transform_indices = @transform_7, window_bounds = array<i64: 1000, 128>}]} {
    %get3A = arith.constant 0 : index
    %get3A_0 = arith.constant 0 : index
    %get3A_1 = vector.load %arg1[%get3A, %get3A_0] : memref<1000x128xf32, #tpu.memory_space<vmem>>, vector<1000x128xf32>
    %get3A_2 = arith.constant 0 : index
    %get3A_3 = arith.constant 0 : index
    %get3A_4 = vector.load %arg2[%get3A_2, %get3A_3] : memref<1000x128xf32, #tpu.memory_space<vmem>>, vector<1000x128xf32>
    %add3A = arith.addf %get3A_1, %get3A_4 : vector<1000x128xf32>
    %get3A_5 = arith.constant 0 : index
    %get3A_6 = arith.constant 0 : index
    %get3A_7 = vector.load %arg3[%get3A_5, %get3A_6] : memref<1000x128xf32, #tpu.memory_space<vmem>>, vector<1000x128xf32>
    %add3A_8 = arith.addf %add3A, %get3A_7 : vector<1000x128xf32>
    %get3A_9 = arith.constant 0 : index
    %get3A_10 = arith.constant 0 : index
    %get3A_11 = vector.load %arg4[%get3A_9, %get3A_10] : memref<128x128xf32, #tpu.memory_space<vmem>>, vector<128x128xf32>
    %dot_general3A = arith.constant dense<0.000000e+00> : vector<1000x128xf32>
    %dot_general3A_12 = tpu.matmul %add3A_8, %get3A_11, %dot_general3A {dimension_numbers = #tpu.dot_dimension_numbers<[1], [0], [0], [1], [0, 0, 1, 1], [], []>, transpose_lhs_hint = false} : vector<1000x128xf32>, vector<128x128xf32>, vector<1000x128xf32> -> vector<1000x128xf32>
    %get3A_13 = arith.constant 0 : index
    %get3A_14 = arith.constant 0 : index
    %get3A_15 = vector.load %arg5[%get3A_13, %get3A_14] : memref<1x128xf32, #tpu.memory_space<vmem>>, vector<1x128xf32>
    %add3A_16 = vector.broadcast %get3A_15 : vector<1x128xf32> to vector<1000x128xf32>
    %add3A_17 = arith.addf %dot_general3A_12, %add3A_16 : vector<1000x128xf32>
    %max3A = arith.constant 0.000000e+00 : f32
    %max3A_18 = vector.broadcast %max3A : f32 to vector<1000x128xf32>
    %max3A_19 = arith.maximumf %add3A_17, %max3A_18 : vector<1000x128xf32>
    %get3A_20 = arith.constant 0 : index
    %get3A_21 = arith.constant 0 : index
    %get3A_22 = vector.load %arg6[%get3A_20, %get3A_21] : memref<128x128xf32, #tpu.memory_space<vmem>>, vector<128x128xf32>
    %dot_general3A_23 = arith.constant dense<0.000000e+00> : vector<1000x128xf32>
    %dot_general3A_24 = tpu.matmul %max3A_19, %get3A_22, %dot_general3A_23 {dimension_numbers = #tpu.dot_dimension_numbers<[1], [0], [0], [1], [0, 0, 1, 1], [], []>, transpose_lhs_hint = false} : vector<1000x128xf32>, vector<128x128xf32>, vector<1000x128xf32> -> vector<1000x128xf32>
    %get3A_25 = arith.constant 0 : index
    %get3A_26 = arith.constant 0 : index
    %get3A_27 = vector.load %arg7[%get3A_25, %get3A_26] : memref<1x128xf32, #tpu.memory_space<vmem>>, vector<1x128xf32>
    %add3A_28 = vector.broadcast %get3A_27 : vector<1x128xf32> to vector<1000x128xf32>
    %add3A_29 = arith.addf %dot_general3A_24, %add3A_28 : vector<1000x128xf32>
    %swap3A = arith.constant 0 : index
    %swap3A_30 = arith.constant 0 : index
    %swap3A_31 = vector.load %arg8[%swap3A, %swap3A_30] : memref<1000x128xf32, #tpu.memory_space<vmem>>, vector<1000x128xf32>
    tpu.vector_store %arg8[%swap3A, %swap3A_30], %add3A_29 {strides = array<i32>} : memref<1000x128xf32, #tpu.memory_space<vmem>>, vector<1000x128xf32>,
    return
  }
  func.func @transform_0(%arg0: i32) -> (i32, i32) {
    %c0_i32 = arith.constant 0 : i32
    %c0_i32_0 = arith.constant 0 : i32
    return %arg0, %c0_i32 : i32, i32
  }
  func.func @transform_1(%arg0: i32) -> (i32, i32) {
    %c0_i32 = arith.constant 0 : i32
    %c0_i32_0 = arith.constant 0 : i32
    return %arg0, %c0_i32 : i32, i32
  }
  func.func @transform_2(%arg0: i32) -> (i32, i32) {
    %c0_i32 = arith.constant 0 : i32
    %c0_i32_0 = arith.constant 0 : i32
    return %arg0, %c0_i32 : i32, i32
  }
  func.func @transform_3(%arg0: i32) -> (i32, i32) {
    %c0_i32 = arith.constant 0 : i32
    %c0_i32_0 = arith.constant 0 : i32
    %c0_i32_1 = arith.constant 0 : i32
    return %c0_i32, %c0_i32_0 : i32, i32
  }
  func.func @transform_4(%arg0: i32) -> (i32, i32) {
    %c0_i32 = arith.constant 0 : i32
    %c0_i32_0 = arith.constant 0 : i32
    %c0_i32_1 = arith.constant 0 : i32
    return %c0_i32, %c0_i32_0 : i32, i32
  }
  func.func @transform_5(%arg0: i32) -> (i32, i32) {
    %c0_i32 = arith.constant 0 : i32
    %c0_i32_0 = arith.constant 0 : i32
    %c0_i32_1 = arith.constant 0 : i32
    return %c0_i32, %c0_i32_0 : i32, i32
  }
  func.func @transform_6(%arg0: i32) -> (i32, i32) {
    %c0_i32 = arith.constant 0 : i32
    %c0_i32_0 = arith.constant 0 : i32
    %c0_i32_1 = arith.constant 0 : i32
    return %c0_i32, %c0_i32_0 : i32, i32
  }
  func.func @transform_7(%arg0: i32) -> (i32, i32) {
    %c0_i32 = arith.constant 0 : i32
    %c0_i32_0 = arith.constant 0 : i32
    return %arg0, %c0_i32 : i32, i32
  }
}

module attributes {stable_mosaic.version = 14 : i64} {
  func.func @_final_body(%arg0: i32, %arg1: memref<1000x128xf32, #tpu.memory_space<vmem>>, %arg2: memref<1000x128xf32, #tpu.memory_space<vmem>>, %arg3: memref<1000x128xf32, #tpu.memory_space<vmem>>, %arg4: memref<1000x1xi32, #tpu.memory_space<vmem>>, %arg5: memref<128x128xf32, #tpu.memory_space<vmem>>, %arg6: memref<1x128xf32, #tpu.memory_space<vmem>>, %arg7: memref<128x128xf32, #tpu.memory_space<vmem>>, %arg8: memref<1x128xf32, #tpu.memory_space<vmem>>, %arg9: memref<128x128xf32, #tpu.memory_space<vmem>>, %arg10: memref<1x128xf32, #tpu.memory_space<vmem>>, %arg11: memref<64x128xf32, #tpu.memory_space<vmem>>, %arg12: memref<64x128xf32, #tpu.memory_space<vmem>>, %arg13: memref<64x1xf32, #tpu.memory_space<vmem>>) attributes {dimension_semantics = [#tpu.dimension_semantics<arbitrary>], iteration_bounds = array<i64: 10>, scalar_prefetch = 0 : i64, scratch_operands = 2 : i64, tpu.core_type = #tpu.core_type<tc>, window_params = [{transform_indices = @transform_0, window_bounds = array<i64: 1000, 128>}, {transform_indices = @transform_1, window_bounds = array<i64: 1000, 128>}, {transform_indices = @transform_2, window_bounds = array<i64: 1000, 128>}, {transform_indices = @transform_3, window_bounds = array<i64: 1000, 1>}, {pipeline_mode = #tpu.pipeline_mode<synchronous>, transform_indices = @transform_4, window_bounds = array<i64: 128, 128>}, {pipeline_mode = #tpu.pipeline_mode<synchronous>, transform_indices = @transform_5, window_bounds = array<i64: 1, 128>}, {pipeline_mode = #tpu.pipeline_mode<synchronous>, transform_indices = @transform_6, window_bounds = array<i64: 128, 128>}, {pipeline_mode = #tpu.pipeline_mode<synchronous>, transform_indices = @transform_7, window_bounds = array<i64: 1, 128>}, {pipeline_mode = #tpu.pipeline_mode<synchronous>, transform_indices = @transform_8, window_bounds = array<i64: 128, 128>}, {pipeline_mode = #tpu.pipeline_mode<synchronous>, transform_indices = @transform_9, window_bounds = array<i64: 1, 128>}, {pipeline_mode = #tpu.pipeline_mode<synchronous>, transform_indices = @transform_10, window_bounds = array<i64: 64, 128>}]} {
    %get3A = arith.constant 0 : index
    %get3A_0 = arith.constant 0 : index
    %get3A_1 = vector.load %arg1[%get3A, %get3A_0] : memref<1000x128xf32, #tpu.memory_space<vmem>>, vector<1000x128xf32>
    %get3A_2 = arith.constant 0 : index
    %get3A_3 = arith.constant 0 : index
    %get3A_4 = vector.load %arg2[%get3A_2, %get3A_3] : memref<1000x128xf32, #tpu.memory_space<vmem>>, vector<1000x128xf32>
    %add3A = arith.addf %get3A_1, %get3A_4 : vector<1000x128xf32>
    %get3A_5 = arith.constant 0 : index
    %get3A_6 = arith.constant 0 : index
    %get3A_7 = vector.load %arg3[%get3A_5, %get3A_6] : memref<1000x128xf32, #tpu.memory_space<vmem>>, vector<1000x128xf32>
    %add3A_8 = arith.addf %add3A, %get3A_7 : vector<1000x128xf32>
    %get3A_9 = arith.constant 0 : index
    %get3A_10 = arith.constant 0 : index
    %get3A_11 = vector.load %arg5[%get3A_9, %get3A_10] : memref<128x128xf32, #tpu.memory_space<vmem>>, vector<128x128xf32>
    %dot_general3A = arith.constant dense<0.000000e+00> : vector<1000x128xf32>
    %dot_general3A_12 = tpu.matmul %add3A_8, %get3A_11, %dot_general3A {dimension_numbers = #tpu.dot_dimension_numbers<[1], [0], [0], [1], [0, 0, 1, 1], [], []>, transpose_lhs_hint = false} : vector<1000x128xf32>, vector<128x128xf32>, vector<1000x128xf32> -> vector<1000x128xf32>
    %get3A_13 = arith.constant 0 : index
    %get3A_14 = arith.constant 0 : index
    %get3A_15 = vector.load %arg6[%get3A_13, %get3A_14] : memref<1x128xf32, #tpu.memory_space<vmem>>, vector<1x128xf32>
    %add3A_16 = vector.broadcast %get3A_15 : vector<1x128xf32> to vector<1000x128xf32>
    %add3A_17 = arith.addf %dot_general3A_12, %add3A_16 : vector<1000x128xf32>
    %max3A = arith.constant 0.000000e+00 : f32
    %max3A_18 = vector.broadcast %max3A : f32 to vector<1000x128xf32>
    %max3A_19 = arith.maximumf %add3A_17, %max3A_18 : vector<1000x128xf32>
    %get3A_20 = arith.constant 0 : index
    %get3A_21 = arith.constant 0 : index
    %get3A_22 = vector.load %arg7[%get3A_20, %get3A_21] : memref<128x128xf32, #tpu.memory_space<vmem>>, vector<128x128xf32>
    %dot_general3A_23 = arith.constant dense<0.000000e+00> : vector<1000x128xf32>
    %dot_general3A_24 = tpu.matmul %max3A_19, %get3A_22, %dot_general3A_23 {dimension_numbers = #tpu.dot_dimension_numbers<[1], [0], [0], [1], [0, 0, 1, 1], [], []>, transpose_lhs_hint = false} : vector<1000x128xf32>, vector<128x128xf32>, vector<1000x128xf32> -> vector<1000x128xf32>
    %get3A_25 = arith.constant 0 : index
    %get3A_26 = arith.constant 0 : index
    %get3A_27 = vector.load %arg8[%get3A_25, %get3A_26] : memref<1x128xf32, #tpu.memory_space<vmem>>, vector<1x128xf32>
    %add3A_28 = vector.broadcast %get3A_27 : vector<1x128xf32> to vector<1000x128xf32>
    %add3A_29 = arith.addf %dot_general3A_24, %add3A_28 : vector<1000x128xf32>
    %iota3A = tpu.iota {dimensions = array<i32: 1>} : vector<1000x64xi32>
    %get3A_30 = arith.constant 0 : index
    %get3A_31 = arith.constant 0 : index
    %get3A_32 = vector.load %arg4[%get3A_30, %get3A_31] : memref<1000x1xi32, #tpu.memory_space<vmem>>, vector<1000x1xi32>
    %eq3A = vector.broadcast %get3A_32 : vector<1000x1xi32> to vector<1000x64xi32>
    %eq3A_33 = arith.cmpi eq, %eq3A, %iota3A : vector<1000x64xi32>
    %convert_element_type3A = arith.extui %eq3A_33 : vector<1000x64xi1> to vector<1000x64xi32>
    %convert_element_type3A_34 = arith.sitofp %convert_element_type3A : vector<1000x64xi32> to vector<1000x64xf32>
    %dot_general3A_35 = arith.constant dense<0.000000e+00> : vector<64x128xf32>
    %dot_general3A_36 = tpu.matmul %convert_element_type3A_34, %add3A_29, %dot_general3A_35 {dimension_numbers = #tpu.dot_dimension_numbers<[0], [0], [1], [1], [0, 1, 1, 1], [], []>, transpose_lhs_hint = false} : vector<1000x64xf32>, vector<1000x128xf32>, vector<64x128xf32> -> vector<64x128xf32>
    %broadcast_in_dim3A = arith.constant 1.000000e+00 : f32
    %broadcast_in_dim3A_37 = vector.broadcast %broadcast_in_dim3A : f32 to vector<1000x1xf32>
    %dot_general3A_38 = arith.constant dense<0.000000e+00> : vector<64x1xf32>
    %dot_general3A_39 = tpu.matmul %convert_element_type3A_34, %broadcast_in_dim3A_37, %dot_general3A_38 {dimension_numbers = #tpu.dot_dimension_numbers<[0], [0], [1], [1], [0, 1, 1, 1], [], []>, transpose_lhs_hint = false} : vector<1000x64xf32>, vector<1000x1xf32>, vector<64x1xf32> -> vector<64x1xf32>
    %eq3A_40 = arith.constant 0 : i32
    %eq3A_41 = arith.cmpi eq, %arg0, %eq3A_40 : i32
    %convert_element_type3A_42 = arith.extui %eq3A_41 : i1 to i32
    %cond3A = arith.constant 0 : i32
    %cond3A_43 = arith.cmpi ne, %convert_element_type3A_42, %cond3A : i32
    scf.if %cond3A_43 {
      %broadcast_in_dim3A_62 = arith.constant 0.000000e+00 : f32
      %broadcast_in_dim3A_63 = vector.broadcast %broadcast_in_dim3A_62 : f32 to vector<64x128xf32>
      %swap3A_64 = arith.constant 0 : index
      %swap3A_65 = arith.constant 0 : index
      %swap3A_66 = vector.load %arg12[%swap3A_64, %swap3A_65] : memref<64x128xf32, #tpu.memory_space<vmem>>, vector<64x128xf32>
      tpu.vector_store %arg12[%swap3A_64, %swap3A_65], %broadcast_in_dim3A_63 {strides = array<i32>} : memref<64x128xf32, #tpu.memory_space<vmem>>, vector<64x128xf32>,
      %broadcast_in_dim3A_67 = arith.constant 0.000000e+00 : f32
      %broadcast_in_dim3A_68 = vector.broadcast %broadcast_in_dim3A_67 : f32 to vector<64x1xf32>
      %swap3A_69 = arith.constant 0 : index
      %swap3A_70 = arith.constant 0 : index
      %swap3A_71 = vector.load %arg13[%swap3A_69, %swap3A_70] : memref<64x1xf32, #tpu.memory_space<vmem>>, vector<64x1xf32>
      tpu.vector_store %arg13[%swap3A_69, %swap3A_70], %broadcast_in_dim3A_68 {strides = array<i32>} : memref<64x1xf32, #tpu.memory_space<vmem>>, vector<64x1xf32>,
    } else {
    }
    %get3A_44 = arith.constant 0 : index
    %get3A_45 = arith.constant 0 : index
    %get3A_46 = vector.load %arg12[%get3A_44, %get3A_45] : memref<64x128xf32, #tpu.memory_space<vmem>>, vector<64x128xf32>
    %add3A_47 = arith.addf %get3A_46, %dot_general3A_36 : vector<64x128xf32>
    %swap3A = arith.constant 0 : index
    %swap3A_48 = arith.constant 0 : index
    %swap3A_49 = vector.load %arg12[%swap3A, %swap3A_48] : memref<64x128xf32, #tpu.memory_space<vmem>>, vector<64x128xf32>
    tpu.vector_store %arg12[%swap3A, %swap3A_48], %add3A_47 {strides = array<i32>} : memref<64x128xf32, #tpu.memory_space<vmem>>, vector<64x128xf32>,
    %get3A_50 = arith.constant 0 : index
    %get3A_51 = arith.constant 0 : index
    %get3A_52 = vector.load %arg13[%get3A_50, %get3A_51] : memref<64x1xf32, #tpu.memory_space<vmem>>, vector<64x1xf32>
    %add3A_53 = arith.addf %get3A_52, %dot_general3A_39 : vector<64x1xf32>
    %swap3A_54 = arith.constant 0 : index
    %swap3A_55 = arith.constant 0 : index
    %swap3A_56 = vector.load %arg13[%swap3A_54, %swap3A_55] : memref<64x1xf32, #tpu.memory_space<vmem>>, vector<64x1xf32>
    tpu.vector_store %arg13[%swap3A_54, %swap3A_55], %add3A_53 {strides = array<i32>} : memref<64x1xf32, #tpu.memory_space<vmem>>, vector<64x1xf32>,
    %eq3A_57 = arith.constant 9 : i32
    %eq3A_58 = arith.cmpi eq, %arg0, %eq3A_57 : i32
    %convert_element_type3A_59 = arith.extui %eq3A_58 : i1 to i32
    %cond3A_60 = arith.constant 0 : i32
    %cond3A_61 = arith.cmpi ne, %convert_element_type3A_59, %cond3A_60 : i32
    scf.if %cond3A_61 {
      %get3A_62 = arith.constant 0 : index
      %get3A_63 = arith.constant 0 : index
      %get3A_64 = vector.load %arg12[%get3A_62, %get3A_63] : memref<64x128xf32, #tpu.memory_space<vmem>>, vector<64x128xf32>
      %get3A_65 = arith.constant 0 : index
      %get3A_66 = arith.constant 0 : index
      %get3A_67 = vector.load %arg13[%get3A_65, %get3A_66] : memref<64x1xf32, #tpu.memory_space<vmem>>, vector<64x1xf32>
      %max3A_68 = arith.constant 1.000000e+00 : f32
      %max3A_69 = vector.broadcast %max3A_68 : f32 to vector<64x1xf32>
      %max3A_70 = arith.maximumf %get3A_67, %max3A_69 : vector<64x1xf32>
      %div3A = vector.broadcast %max3A_70 : vector<64x1xf32> to vector<64x128xf32>
      %div3A_71 = arith.divf %get3A_64, %div3A : vector<64x128xf32>
      %get3A_72 = arith.constant 0 : index
      %get3A_73 = arith.constant 0 : index
      %get3A_74 = vector.load %arg9[%get3A_72, %get3A_73] : memref<128x128xf32, #tpu.memory_space<vmem>>, vector<128x128xf32>
      %dot_general3A_75 = arith.constant dense<0.000000e+00> : vector<64x128xf32>
      %dot_general3A_76 = tpu.matmul %div3A_71, %get3A_74, %dot_general3A_75 {dimension_numbers = #tpu.dot_dimension_numbers<[1], [0], [0], [1], [0, 0, 1, 1], [], []>, transpose_lhs_hint = false} : vector<64x128xf32>, vector<128x128xf32>, vector<64x128xf32> -> vector<64x128xf32>
      %get3A_77 = arith.constant 0 : index
      %get3A_78 = arith.constant 0 : index
      %get3A_79 = vector.load %arg10[%get3A_77, %get3A_78] : memref<1x128xf32, #tpu.memory_space<vmem>>, vector<1x128xf32>
      %add3A_80 = vector.broadcast %get3A_79 : vector<1x128xf32> to vector<64x128xf32>
      %add3A_81 = arith.addf %dot_general3A_76, %add3A_80 : vector<64x128xf32>
      %swap3A_82 = arith.constant 0 : index
      %swap3A_83 = arith.constant 0 : index
      %swap3A_84 = vector.load %arg11[%swap3A_82, %swap3A_83] : memref<64x128xf32, #tpu.memory_space<vmem>>, vector<64x128xf32>
      tpu.vector_store %arg11[%swap3A_82, %swap3A_83], %add3A_81 {strides = array<i32>} : memref<64x128xf32, #tpu.memory_space<vmem>>, vector<64x128xf32>,
    } else {
    }
    return
  }
  func.func @transform_0(%arg0: i32) -> (i32, i32) {
    %c0_i32 = arith.constant 0 : i32
    %c0_i32_0 = arith.constant 0 : i32
    return %arg0, %c0_i32 : i32, i32
  }
  func.func @transform_1(%arg0: i32) -> (i32, i32) {
    %c0_i32 = arith.constant 0 : i32
    %c0_i32_0 = arith.constant 0 : i32
    return %arg0, %c0_i32 : i32, i32
  }
  func.func @transform_2(%arg0: i32) -> (i32, i32) {
    %c0_i32 = arith.constant 0 : i32
    %c0_i32_0 = arith.constant 0 : i32
    return %arg0, %c0_i32 : i32, i32
  }
  func.func @transform_3(%arg0: i32) -> (i32, i32) {
    %c0_i32 = arith.constant 0 : i32
    %c0_i32_0 = arith.constant 0 : i32
    return %arg0, %c0_i32 : i32, i32
  }
  func.func @transform_4(%arg0: i32) -> (i32, i32) {
    %c0_i32 = arith.constant 0 : i32
    %c0_i32_0 = arith.constant 0 : i32
    %c0_i32_1 = arith.constant 0 : i32
    return %c0_i32, %c0_i32_0 : i32, i32
  }
  func.func @transform_5(%arg0: i32) -> (i32, i32) {
    %c0_i32 = arith.constant 0 : i32
    %c0_i32_0 = arith.constant 0 : i32
    %c0_i32_1 = arith.constant 0 : i32
    return %c0_i32, %c0_i32_0 : i32, i32
  }
  func.func @transform_6(%arg0: i32) -> (i32, i32) {
    %c0_i32 = arith.constant 0 : i32
    %c0_i32_0 = arith.constant 0 : i32
    %c0_i32_1 = arith.constant 0 : i32
    return %c0_i32, %c0_i32_0 : i32, i32
  }
  func.func @transform_7(%arg0: i32) -> (i32, i32) {
    %c0_i32 = arith.constant 0 : i32
    %c0_i32_0 = arith.constant 0 : i32
    %c0_i32_1 = arith.constant 0 : i32
    return %c0_i32, %c0_i32_0 : i32, i32
  }
  func.func @transform_8(%arg0: i32) -> (i32, i32) {
    %c0_i32 = arith.constant 0 : i32
    %c0_i32_0 = arith.constant 0 : i32
    %c0_i32_1 = arith.constant 0 : i32
    return %c0_i32, %c0_i32_0 : i32, i32
  }
  func.func @transform_9(%arg0: i32) -> (i32, i32) {
    %c0_i32 = arith.constant 0 : i32
    %c0_i32_0 = arith.constant 0 : i32
    %c0_i32_1 = arith.constant 0 : i32
    return %c0_i32, %c0_i32_0 : i32, i32
  }
  func.func @transform_10(%arg0: i32) -> (i32, i32) {
    %c0_i32 = arith.constant 0 : i32
    %c0_i32_0 = arith.constant 0 : i32
    %c0_i32_1 = arith.constant 0 : i32
    return %c0_i32, %c0_i32_0 : i32, i32
  }
}

</mosaic_0001>

<sc_bundles>
// kernel: kernel.6.cloned.1.call-start
scs
__scs_entry_jumppad:
0x0: {  	(pc) =	sbr.rel $0x88, $3  }
0x1: {  	(tag) =	ssettag $0x0;
	lr =	simm.s32 $0x1  }
0x2: {  	[smem:$0x3F94] =	sst lr;
	_ =	strace $0xD0000000  }
0x3: {  	_ = 	snop  }
0x4: {  	_ = 	snop  }
0x5: {  	_ = 	snop  }
0x6: {  	_ = 	snop  }
0x7: {  	_ = 	snop  }
__scs_overlays_trampoline_lowered:
0x8: {  	[smem:$0x3FA3] =	sst s0  }
0x9: {  	[smem:$0x3FA4] =	sst s1  }
0xa: {  	[smem:$0x3FA5] =	sst s2  }
0xb: {  	[smem:$0x3FA6] =	sst s3  }
0xc: {  	[smem:$0x3FA7] =	sst s4  }
0xd: {  	[smem:$0x3FA8] =	sst s5  }
0xe: {  	[smem:$0x3FA9] =	sst s6  }
0xf: {  	[smem:$0x3FAA] =	sst s7  }
0x10: {  	[smem:$0x3FAB] =	sst s8  }
0x11: {  	[smem:$0x3FAC] =	sst s9;
	s0 =	simm.s32 @!p0 $0x0  }
0x12: {  	s1 =	sld [smem:$0x3F92];
	s0 =	simm.s32 @p0 $0x1  }
0x13: {  	[smem:$0x3FAD] =	sst s0;
	s0 =	simm.s32 @!p1 $0x0  }
0x14: {  	s2 =	sld [smem:$0x3F91];
	s0 =	simm.s32 @p1 $0x1  }
0x15: {  	[smem:$0x3FAE] =	sst s0;
	s0 =	simm.s32 @!p2 $0x0  }
0x16: {  	s3 =	sld [smem:$0x3FDB];
	s0 =	simm.s32 @p2 $0x1  }
0x17: {  	s4 =	simm.s32 $0x1BF5;
	[smem:$0x3FB0] =	sst s0  }
0x18: {  	s0 =	sld [smem:$0x3F93];
	_ =	swait.ge [sflag:s4], $0x0  }
0x19: {  	s7 =	sld [smem:$0x3F94]  }
0x1a: {  	s8 =	sadd.s32 $0xFFFFE003, lr  }
0x1b: {  	s9 =	sadd.s32 $0xFFFFFEF7, lr;
	s5 =	simm.s32 $0xFFFFFFFF;
	p2 =	slt.u32 s8, $0xFFFFF086  }
0x1c: {  	p1 =	slt.u32 s9, $0xF7A;
	s5 =	simm.s32 @!p2 $0x0  }
0x1d: {  	s5 =	simm.s32 @p1 $0x1;
	p0 =	seq.s32 s7, s2  }
0x1e: {  	s7 =	smul.u32 @!p0 $0xF7A, s2;
	p2 =	seq.s32 @!p0 s5, $0x0  }
0x1f: {  	s9 =	smul.u32 $0xF7A, s1;
	s8 =	simm.s32 @!p0 $0x1BF5;
	p2 =	por !p2, p0  }
0x20: {  	[sflag:s8] =	ssyncset.s32 @!p0 $0xFFFFF086;
	s6 =	sadd.s32 @!p0 s3, s7;
	s7 =	simm.s32 @!p0 $0x108  }
0x21: {  	s3 =	sadd.s32 s3, s9;
	s6 =	sadd.s32 @!p0 $0x88, s6;
	s7 =	simm.s32 @p2 $0x1082  }
0x22: {  	[simem:s7], [sflag:s8] =	dma.local @!p0 [hbm:s6], $0xF7A  }
0x23: {  	s9 =	sor.u32 $0xD0000000, s2;
	s6 =	simm.s32 $0x108;
	_ =	swait.ge @!p0 [sflag:s8], $0x0  }
0x24: {  	s3 =	sadd.s32 $0x88, s3;
	s6 =	simm.s32 @!p1 $0x1082;
	[sflag:s4] =	ssyncset.s32 $0xFFFFF086  }
0x25: {  	[simem:s6], [sflag:s4] =	dma.local [hbm:s3], $0xF7A  }
0x26: {  	[smem:$0x3F94] =	sst s1;
	(tag) =	ssettag s2;
	_ =	strace s9  }
0x27: {  	s1 =	sld [smem:$0x3FA4]  }
0x28: {  	s2 =	sld [smem:$0x3FA5]  }
0x29: {  	s4 =	sld [smem:$0x3FA7]  }
0x2a: {  	p0 =	seq.s32 s5, $0x0;
	s5 =	sld [smem:$0x3FA8]  }
0x2b: {  	s6 =	sld [smem:$0x3FA9]  }
0x2c: {  	s7 =	sld [smem:$0x3FAA]  }
0x2d: {  	s3 =	simm.s32 $0x108;
	s8 =	sld [smem:$0x3FAB]  }
0x2e: {  	s3 =	simm.s32 @!p0 $0x1082;
	s9 =	sld [smem:$0x3FAC]  }
0x2f: {  	lr =	sadd.s32 s0, s3;
	s0 =	sld [smem:$0x3FA3]  }
0x30: {  	s3 =	sld [smem:$0x3FA6]  }
0x31: {  	[smem:$0x3FAF] =	sst s10  }
0x32: {  	s10 =	sld [smem:$0x3FAD];
	_ =	sdelay $0x3  }
0x33: {  	p0 =	seq.s32 s10, $0x1;
	s10 =	sld [smem:$0x3FAF];
	_ =	sdelay $0x3  }
0x34: {  	[smem:$0x3FAF] =	sst s10  }
0x35: {  	s10 =	sld [smem:$0x3FAE];
	_ =	sdelay $0x3  }
0x36: {  	p1 =	seq.s32 s10, $0x1;
	s10 =	sld [smem:$0x3FAF];
	_ =	sdelay $0x3  }
0x37: {  	[smem:$0x3FAF] =	sst s10  }
0x38: {  	s10 =	sld [smem:$0x3FB0]  }
0x39: {  	_ = 	snop;
	(pc) =	sbr.ind lr, $3  }
0x3a: {  	_ = 	snop  }
0x3b: {  	_ = 	snop  }
0x3c: {  	p2 =	seq.s32 s10, $0x1;
	s10 =	sld [smem:$0x3FAF]  }
0x3d: {  	_ =	shalt  }
0x3e: {  	_ =	shalt  }
0x3f: {  	_ =	shalt  }
0x40: {  	_ =	shalt  }
0x41: {  	_ =	shalt  }
0x42: {  	_ =	shalt  }
0x43: {  	_ =	shalt  }
0x44: {  	_ =	shalt  }
0x45: {  	_ =	shalt  }
0x46: {  	_ =	shalt  }
0x47: {  	_ =	shalt  }
0x48: {  	_ =	shalt  }
0x49: {  	_ =	shalt  }
0x4a: {  	_ =	shalt  }
0x4b: {  	_ =	shalt  }
0x4c: {  	_ =	shalt  }
0x4d: {  	_ =	shalt  }
0x4e: {  	_ =	shalt  }
0x4f: {  	_ =	shalt  }
0x50: {  	_ =	shalt  }
0x51: {  	_ =	shalt  }
0x52: {  	_ =	shalt  }
0x53: {  	_ =	shalt  }
0x54: {  	_ =	shalt  }
0x55: {  	_ =	shalt  }
0x56: {  	_ =	shalt  }
0x57: {  	_ =	shalt  }
0x58: {  	_ =	shalt  }
0x59: {  	_ =	shalt  }
0x5a: {  	_ =	shalt  }
0x5b: {  	_ =	shalt  }
0x5c: {  	_ =	shalt  }
0x5d: {  	_ =	shalt  }
0x5e: {  	_ =	shalt  }
0x5f: {  	_ =	shalt  }
0x60: {  	_ =	shalt  }
0x61: {  	_ =	shalt  }
0x62: {  	_ =	shalt  }
0x63: {  	_ =	shalt  }
0x64: {  	_ =	shalt  }
0x65: {  	_ =	shalt  }
0x66: {  	_ =	shalt  }
0x67: {  	_ =	shalt  }
0x68: {  	_ =	shalt  }
0x69: {  	_ =	shalt  }
0x6a: {  	_ =	shalt  }
0x6b: {  	_ =	shalt  }
0x6c: {  	_ =	shalt  }
0x6d: {  	_ =	shalt  }
0x6e: {  	_ =	shalt  }
0x6f: {  	_ =	shalt  }
0x70: {  	_ =	shalt  }
0x71: {  	_ =	shalt  }
0x72: {  	_ =	shalt  }
0x73: {  	_ =	shalt  }
0x74: {  	_ =	shalt  }
0x75: {  	_ =	shalt  }
0x76: {  	_ =	shalt  }
0x77: {  	_ =	shalt  }
0x78: {  	_ =	shalt  }
0x79: {  	_ =	shalt  }
0x7a: {  	_ =	shalt  }
0x7b: {  	_ =	shalt  }
0x7c: {  	_ =	shalt  }
0x7d: {  	_ =	shalt  }
0x7e: {  	_ =	shalt  }
0x7f: {  	_ =	shalt  }
0x80: {  	_ =	shalt  }
0x81: {  	_ =	shalt  }
0x82: {  	_ =	shalt  }
0x83: {  	_ =	shalt  }
0x84: {  	_ =	shalt  }
0x85: {  	_ =	shalt  }
0x86: {  	_ =	shalt  }
0x87: {  	_ =	shalt  }
.Lfunc_end0:
.L_simem_size_0:
called_computation_lowered:
.L_overlay_start_0:
0x88: {  	s2 =	sld [smem:$0x3FD9]  }
0x89: {  	s3 =	sld [smem:$0x3FFE];
	_ =	sdelay $0x1  }
0x8a: {  	s1 =	srdreg.scid  }
0x8b: {  	s0 =	sand.u32 $0x1, s1  }
0x8c: {  	s17 =	sshll.u32 s0, $0xA;
	s2 =	sadd.s32 s3, s2  }
0x8d: {  	s2 =	sadd.s32 s2, s17  }
0x8e: {  	[smem:$0x3FBB] =	sst s2  }
0x8f: {  	_ = 	snop  }
0x90: {  	s2 =	sld [smem:$0x3FC9];
	(tm) =	ssettm $0x1  }
0x91: {  	s18 =	sld [smem:$0x3FFB];
	_ =	sdelay $0x3  }
0x92: {  	_ =	strace s18  }
0x93: {  	s3 =	sld [smem:$0x3FFC];
	_ =	sdelay $0x3  }
0x94: {  	_ =	strace s3  }
0x95: {  	s3 =	sld [smem:$0x3FFD];
	_ =	sdelay $0x3  }
0x96: {  	_ =	strace s3  }
0x97: {  	_ =	strace $0x8FFFFFFF  }
0x98: {  	s19 =	sld [smem:$0x3FDB];
	_ =	sdelay $0x1  }
0x99: {  	s4 =	simm.s32 $_scs_section_size  }
0x9a: {  	s5 =	simm.s32 $_size__tile_overlayer_lowered;
	s6 =	simm.s32 $_tile_overlayer_lowered  }
0x9b: {  	s22 =	simm.s32 $0x1BFF;
	s21 =	sshll.u32 s6, $0x1;
	s3 =	sadd.s32 s4, s19  }
0x9c: {  	s7 =	simm.s32 $0x0;
	s20 =	sshll.u32 s5, $0x1;
	s5 =	sadd.s32 s21, s3  }
0x9d: {  	[timem:s7], [sflag:s22] =	dma.local [hbm:s5], s20  }
0x9e: {  	_ =	swait.ge [sflag:s22], s20  }
0x9f: {  	s4 =	ssub.s32 $0x0, s20;
	[sflag:s22] =	ssyncset.done $0x0  }
0xa0: {  	[sflag:s22] =	ssyncadd.s32 s4;
	_ =	sdelay $0x1  }
0xa1: {  	s23 =	simm.s32 $0x1B8B  }
0xa2: {  	_ =	swait.ge [sflag:s23], $0x1  }
0xa3: {  	[sflag:s23] =	ssyncset.done $0x0  }
0xa4: {  	s25 =	simm.s32 $0x1B8E;
	s24 =	sld [smem:$0x3FFE];
	[sflag:s23] =	ssyncadd.s32 $0xFFFFFFFF  }
0xa5: {  	s26 =	simm.s32 $execute0_lowered;
	[smem:$0x3FD2] =	sst s25  }
0xa6: {  	s5 =	sshll.u32 s26, $0x1;
	_ =	strace $0x80000046;
	[dreg:$0x1] =	wrdreg $0xFFFFFFFF  }
0xa7: {  	s28 =	simm.s32 $_size_execute0_lowered;
	s3 =	sadd.s32 s3, s5;
	[dreg:$0x0] =	wrdreg $0x0  }
0xa8: {  	s5 =	sshll.u32 s28, $0x1;
	[dreg:$0x2] =	wrdreg s3  }
0xa9: {  	[dreg:$0x3] =	wrdreg s5  }
0xaa: {  	[dreg:$0x4] =	wrdreg $0xC0  }
0xab: {  	_ =	task [dreg:s7], $0x5FFFF  }
0xac: {  	[dreg:$0x1] =	wrdreg $0xFFFFFFFF  }
0xad: {  	[dreg:$0x0] =	wrdreg $0x60  }
0xae: {  	[dreg:$0x2] =	wrdreg s2  }
0xaf: {  	[dreg:$0x3] =	wrdreg s24  }
0xb0: {  	[dreg:$0x4] =	wrdreg $0x90000  }
0xb1: {  	[dreg:$0x5] =	wrdreg $0x9  }
0xb2: {  	_ =	task.clear_ibuf [dreg:s7], $0x6FFFF;
	_ =	strace $0x90000046  }
0xb3: {  	s29 =	simm.s32 $0x9;
	_ =	strace $0x80000048  }
0xb4: {  	_ =	swait.ge [sflag:s29], $0x1  }
0xb5: {  	[sflag:s29] =	ssyncadd.s32 $0xFFFFFFFF  }
0xb6: {  	_ =	strace $0x90000048  }
0xb7: {  	_ =	sfence  }
0xb8: {  	s30 =	sld [smem:$0x0];
	_ =	sdelay $0x2  }
0xb9: {  	s31 =	sshll.u32 s1, $0xD;
	s1 =	sshrl.u32 s1, $0x2  }
0xba: {  	s3 =	sand.u32 $0x4000, s31;
	s1 =	sadd.s32 s1, s30  }
0xbb: {  	s0 =	sor.u32 s3, s0;
	s1 =	sshll.u32 s1, $0x11  }
0xbc: {  	s0 =	sor.u32 s1, s0  }
0xbd: {  	s0 =	sadd.s32 $0x8F2B, s0  }
0xbe: {  	[sflag:s0] =	ssyncadd.remote.s32 $0x1  }
0xbf: {  	_ =	sfence.sel $0xFFFF  }
0xc0: {  	[dreg:$0x0] =	wrdreg $0xFFFFFFFF;
	(pc) =	sbr.abs _section_cstart, $3  }
0xc1: {  	[dreg:$0x1] =	wrdreg $0xFFFFFFFF  }
0xc2: {  	_ =	task.clear_ibuf [dreg:s7], $0x2FFFF;
	_ =	strace $0x9FFFFFFF  }
0xc3: {  	(tm) =	ssettm $0x7FFFFFFF  }
tec
execute0_lowered:
.L_overlay_start_1:
0x0: {  	(tag) =	ssettag $0x1  }
0x1: {  	s1 =	rddreg [dreg:$0x0];
	s2 =	srdreg.scid  }
0x2: {  	s0 =	stileid.u32;
	s9 =	rddreg [dreg:$0x1]  }
0x3: {  	s3 =	rddreg [dreg:$0x2];
	s4 =	simm.s32 $0x0;
	s12 =	simm.s32 $0x3FA00  }
0x4: {  	s18 =	simm.s32 $0x80;
	s19 =	simm.s32 $0x5000;
	s20 =	simm.s32 $0x0  }
0x5: {  	s7 =	sand.u32 $0x1, s2;
	s29 =	sshll.u32 s0, $0x1;
	s2 =	rddreg [dreg:$0x3]  }
0x6: {  	[smem:$0x7FF] =	sst s4;
	s6 =	smul.u32 $0x50000, s0;
	s31 =	sshll.u32 s0, $0x6  }
0x7: {  	s17 =	smul.u32 $0x2800, s0;
	s5 =	sor.u32 s7, s29;
	_ =	strace $0x80000047  }
0x8: {  	s10 =	ssub.s32 $0x2, s7;
	p0 =	seq.s32 s7, $0x1;
	s5 =	smul.u32 $0x500, s5  }
0x9: {  	s11 =	sshrl.u32 s10, $0x1;
	s6 =	sshrl.u32 s6, $0x2;
	s12 =	simm.s32 @!p0 $0x17A00  }
0xa: {  	s10 =	ssub.s32 s10, s11;
	s30 =	sadd.s32 s6, s3;
	s6 =	sor.u32 $0x1C01, s31  }
0xb: {  	s12 =	sadd.s32 s12, s9;
	s8 =	sadd.s32 s5, s9;
	s5 =	sadd.s32 $0x17200, s9  }
0xc: {  	s13 =	sadd.s32 $0x4000, s30;
	s14 =	sadd.s32 $0x8000, s30;
	s15 =	sadd.s32 $0xC000, s30  }
0xd: {  	s16 =	sadd.s32 $0x10000, s30;
	s9 =	smax.u32 s10, $0x1;
	s10 =	sadd.s32 s12, s17  }
0xe: {  	s11 =	sshrl.u32 s30, $0x3;
	s12 =	simm.s32 $0x1;
	s17 =	simm.s32 $0x2800  }
0xf: {  	s7 =	sadd.s32 $0x3200, s8;
	s8 =	sadd.s32 $0xD200, s8;
	s13 =	sshrl.u32 s13, $0x3  }
0x10: {  	s14 =	sshrl.u32 s14, $0x3;
	s15 =	sshrl.u32 s15, $0x3;
	s16 =	sshrl.u32 s16, $0x3  }
.LBB2_1:
0x11: {  	[spmem:s11], [sflag:s6] =	dma.local [hbm:s5], $0x800  }
0x12: {  	_ =	swait.ge [sflag:s12], $0x800  }
0x13: {  	[sflag:s12] =	ssyncset.done $0x0  }
0x14: {  	[sflag:s12] =	ssyncadd.s32 $0xFFFFF800  }
0x15: {  	[spmem:s13], [sflag:s6] =	dma.local [hbm:s5], $0x800  }
0x16: {  	_ =	swait.ge [sflag:s12], $0x800  }
0x17: {  	[sflag:s12] =	ssyncset.done $0x0  }
0x18: {  	[sflag:s12] =	ssyncadd.s32 $0xFFFFF800  }
0x19: {  	[spmem:s14], [sflag:s6] =	dma.local [hbm:s5], $0x800  }
0x1a: {  	_ =	swait.ge [sflag:s12], $0x800  }
0x1b: {  	[sflag:s12] =	ssyncset.done $0x0  }
0x1c: {  	[sflag:s12] =	ssyncadd.s32 $0xFFFFF800  }
0x1d: {  	[spmem:s15], [sflag:s6] =	dma.local [hbm:s5], $0x800  }
0x1e: {  	_ =	swait.ge [sflag:s12], $0x800  }
0x1f: {  	[sflag:s12] =	ssyncset.done $0x0  }
0x20: {  	[sflag:s12] =	ssyncadd.s32 $0xFFFFF800  }
0x21: {  	[spmem:s16], [sflag:s6] =	dma.local [hbm:s5], $0x800  }
0x22: {  	_ =	swait.ge [sflag:s12], $0x800  }
0x23: {  	[sflag:s12] =	ssyncset.done $0x0  }
0x24: {  	[sflag:s12] =	ssyncadd.s32 $0xFFFFF800  }
0x25: {  	[bflag:$0x0] =	sbarrier.arrive $0xFFFF  }
0x26: {  	[tilespmem:s4], [sflag:$0x1] =	stream.linear.gather [hbm4b:s7+s4], $0x2780, $0x38;
	[tilespmem:$0x1D000] =	vst v63  }
0x27: {  	_ =	swait.ge [sflag:s12], $0x2780  }
0x28: {  	[sflag:s12] =	ssyncset.done $0x0  }
0x29: {  	[sflag:s12] =	ssyncadd.s32 $0xFFFFD880  }
0x2a: {  	[tilespmem:s17], [sflag:$0x1] =	stream.linear.gather [hbm4b:s8+s4], $0x2780, $0x38;
	[tilespmem:$0x1D000] =	vst v63  }
0x2b: {  	_ =	swait.ge [sflag:s12], $0x2780  }
0x2c: {  	[sflag:s12] =	ssyncset.done $0x0  }
0x2d: {  	s21 =	simm.s32 $0x0;
	[sflag:s12] =	ssyncadd.s32 $0xFFFFD880  }
0x2e: {  	[tilespmem:s19], [sflag:$0x1] =	stream.indirect.gather [hbm4b:s1+s18], $0x80, s21, s18, $0xb8;
	[tilespmem:$0x1D000] =	vst v63  }
0x2f: {  	_ =	swait.ge [sflag:s12], $0x4000  }
0x30: {  	[sflag:s12] =	ssyncset.done $0x0  }
0x31: {  	s31 =	simm.s32 $0x2800;
	[sflag:s12] =	ssyncadd.s32 $0xFFFFC000  }
0x32: {  	[spmem:s3] =	stream.indirect.scatter.add.f32 [tilespmem:s19], [sflag:$0x1], $0x80, s31, s18, $0xb8;
	[tilespmem:$0x1D000] =	vst v63  }
0x33: {  	_ =	swait.ge [sflag:s12], $0x4000  }
0x34: {  	s22 =	simm.s32 $0x400;
	s21 =	simm.s32 $0x200;
	[sflag:s12] =	ssyncset.done $0x0  }
.LBB2_2:
0x35: {  	s23 =	sshra.s32 s21, $0x2  }
0x36: {  	[sflag:s12] =	ssyncadd.s32 $0xFFFFC000;
	s21 =	smov.u32 s22;
	s24 =	sadd.s32 $0x200, s22  }
0x37: {  	[tilespmem:s19], [sflag:$0x1] =	stream.indirect.gather [hbm4b:s1+s18], $0x80, s23, s18, $0xb8;
	[tilespmem:$0x1D000] =	vst v63  }
0x38: {  	p0 =	sne.s32 s22, $0x9C00;
	_ =	swait.ge [sflag:s12], $0x4000  }
.Ltmp0:
0x39: {  	[sflag:s12] =	ssyncset.done $0x0;
	(pc) =	sbr.rel @p0 .LBB2_2-.Ltmp0, $4  }
0x3a: {  	s22 =	sadd.s32 $0x2800, s23;
	[sflag:s12] =	ssyncadd.s32 $0xFFFFC000  }
0x3b: {  	[spmem:s3] =	stream.indirect.scatter.add.f32 [tilespmem:s19], [sflag:$0x1], $0x80, s22, s18, $0xb8;
	[tilespmem:$0x1D000] =	vst v63  }
0x3c: {  	_ =	swait.ge [sflag:s12], $0x4000  }
0x3d: {  	s22 =	smov.u32 s24;
	[sflag:s12] =	ssyncset.done $0x0  }
0x3e: {  	s21 =	sshra.s32 s21, $0x2;
	[sflag:s12] =	ssyncadd.s32 $0xFFFFC000  }
0x3f: {  	[tilespmem:s19], [sflag:$0x1] =	stream.indirect.gather [hbm4b:s1+s18], $0x80, s21, s18, $0xb8;
	[tilespmem:$0x1D000] =	vst v63  }
0x40: {  	_ =	swait.ge [sflag:s12], $0x4000  }
0x41: {  	[sflag:s12] =	ssyncset.done $0x0  }
0x42: {  	s21 =	sadd.s32 $0x2800, s21;
	[sflag:s12] =	ssyncadd.s32 $0xFFFFC000  }
0x43: {  	[spmem:s3] =	stream.indirect.scatter.add.f32 [tilespmem:s19], [sflag:$0x1], $0x80, s21, s18, $0xb8;
	[tilespmem:$0x1D000] =	vst v63  }
0x44: {  	_ =	swait.ge [sflag:s12], $0x4000  }
0x45: {  	s20 =	sadd.s32 $0x1, s20;
	[sflag:s12] =	ssyncset.done $0x0  }
0x46: {  	p0 =	sne.s32 s20, s9;
	[sflag:s12] =	ssyncadd.s32 $0xFFFFC000  }
.Ltmp1:
0x47: {  	[bflag:$0x0] =	sbarrier.arrive $0xFFFF;
	(pc) =	sbr.rel @p0 .LBB2_1-.Ltmp1, $4  }
0x48: {  	[hbm:s10], [sflag:s6] =	dma.local [spmem:s11], $0x2800  }
0x49: {  	_ =	swait.ge [sflag:s12], $0x2800  }
0x4a: {  	[sflag:s12] =	ssyncset.done $0x0  }
0x4b: {  	[sflag:s12] =	ssyncadd.s32 $0xFFFFD800  }
0x4c: {  	_ =	sfence.sel $0x180000  }
0x4d: {  	[bflag:$0x0] =	sbarrier.arrive $0xFFFF  }
0x4e: {  	p0 =	sne.s32 s0, $0x0;
	_ =	strace $0x90000047  }
0x4f: {  	s0 =	sadd.s32 @!p0 $0x100000, s2;
	[bflag:$0x2] =	sbarrier.arrive $0xFFFF  }
0x50: {  	[sflag:s0] =	ssyncadd.tile.s32 @!p0 $0x1;
	_ =	shalt  }
.Lfunc_end2:
_tile_overlayer_lowered:
.L_overlay_start_2:
0x51: {  	(tag) =	ssettag $0x2  }
0x52: {  	s0 =	rddreg [dreg:$0x0];
	s2 =	stileid.u32  }
0x53: {  	s1 =	rddreg [dreg:$0x1];
	p0 =	sne.s32 s2, $0x0  }
0x54: {  	s3 =	rddreg [dreg:$0x2];
	[bflag:$0x3] =	sbarrier.arrive $0xFFFF;
	s2 =	simm.s32 @!p0 $0x1C01  }
0x55: {  	[timem:s3], [sflag:s2] =	dma.local @!p0 [hbm:s0], s1  }
0x56: {  	s0 =	simm.s32 @!p0 $0x1  }
0x57: {  	_ =	swait.ge @!p0 [sflag:s0], s1  }
0x58: {  	s1 =	ssub.s32 @!p0 $0x0, s1;
	[sflag:s0] =	ssyncset.done @!p0 $0x0  }
0x59: {  	[sflag:s0] =	ssyncadd.s32 @!p0 s1  }
0x5a: {  	[bflag:$0x3] =	sbarrier.arrive $0xFFFF  }
0x5b: {  	_ =	shalt  }

// kernel: kernel.9.cloned.1.call-start
scs
__scs_entry_jumppad:
0x0: {  	(pc) =	sbr.rel $0x88, $3  }
0x1: {  	(tag) =	ssettag $0x0;
	lr =	simm.s32 $0x1  }
0x2: {  	[smem:$0x3F94] =	sst lr;
	_ =	strace $0xD0000000  }
0x3: {  	_ = 	snop  }
0x4: {  	_ = 	snop  }
0x5: {  	_ = 	snop  }
0x6: {  	_ = 	snop  }
0x7: {  	_ = 	snop  }
__scs_overlays_trampoline_lowered:
0x8: {  	[smem:$0x3FA3] =	sst s0  }
0x9: {  	[smem:$0x3FA4] =	sst s1  }
0xa: {  	[smem:$0x3FA5] =	sst s2  }
0xb: {  	[smem:$0x3FA6] =	sst s3  }
0xc: {  	[smem:$0x3FA7] =	sst s4  }
0xd: {  	[smem:$0x3FA8] =	sst s5  }
0xe: {  	[smem:$0x3FA9] =	sst s6  }
0xf: {  	[smem:$0x3FAA] =	sst s7  }
0x10: {  	[smem:$0x3FAB] =	sst s8  }
0x11: {  	[smem:$0x3FAC] =	sst s9;
	s0 =	simm.s32 @!p0 $0x0  }
0x12: {  	s1 =	sld [smem:$0x3F92];
	s0 =	simm.s32 @p0 $0x1  }
0x13: {  	[smem:$0x3FAD] =	sst s0;
	s0 =	simm.s32 @!p1 $0x0  }
0x14: {  	s2 =	sld [smem:$0x3F91];
	s0 =	simm.s32 @p1 $0x1  }
0x15: {  	[smem:$0x3FAE] =	sst s0;
	s0 =	simm.s32 @!p2 $0x0  }
0x16: {  	s3 =	sld [smem:$0x3FDB];
	s0 =	simm.s32 @p2 $0x1  }
0x17: {  	s4 =	simm.s32 $0x1BF5;
	[smem:$0x3FB0] =	sst s0  }
0x18: {  	s0 =	sld [smem:$0x3F93];
	_ =	swait.ge [sflag:s4], $0x0  }
0x19: {  	s7 =	sld [smem:$0x3F94]  }
0x1a: {  	s8 =	sadd.s32 $0xFFFFE003, lr  }
0x1b: {  	s9 =	sadd.s32 $0xFFFFFEF7, lr;
	s5 =	simm.s32 $0xFFFFFFFF;
	p2 =	slt.u32 s8, $0xFFFFF086  }
0x1c: {  	p1 =	slt.u32 s9, $0xF7A;
	s5 =	simm.s32 @!p2 $0x0  }
0x1d: {  	s5 =	simm.s32 @p1 $0x1;
	p0 =	seq.s32 s7, s2  }
0x1e: {  	s7 =	smul.u32 @!p0 $0xF7A, s2;
	p2 =	seq.s32 @!p0 s5, $0x0  }
0x1f: {  	s9 =	smul.u32 $0xF7A, s1;
	s8 =	simm.s32 @!p0 $0x1BF5;
	p2 =	por !p2, p0  }
0x20: {  	[sflag:s8] =	ssyncset.s32 @!p0 $0xFFFFF086;
	s6 =	sadd.s32 @!p0 s3, s7;
	s7 =	simm.s32 @!p0 $0x108  }
0x21: {  	s3 =	sadd.s32 s3, s9;
	s6 =	sadd.s32 @!p0 $0x88, s6;
	s7 =	simm.s32 @p2 $0x1082  }
0x22: {  	[simem:s7], [sflag:s8] =	dma.local @!p0 [hbm:s6], $0xF7A  }
0x23: {  	s9 =	sor.u32 $0xD0000000, s2;
	s6 =	simm.s32 $0x108;
	_ =	swait.ge @!p0 [sflag:s8], $0x0  }
0x24: {  	s3 =	sadd.s32 $0x88, s3;
	s6 =	simm.s32 @!p1 $0x1082;
	[sflag:s4] =	ssyncset.s32 $0xFFFFF086  }
0x25: {  	[simem:s6], [sflag:s4] =	dma.local [hbm:s3], $0xF7A  }
0x26: {  	[smem:$0x3F94] =	sst s1;
	(tag) =	ssettag s2;
	_ =	strace s9  }
0x27: {  	s1 =	sld [smem:$0x3FA4]  }
0x28: {  	s2 =	sld [smem:$0x3FA5]  }
0x29: {  	s4 =	sld [smem:$0x3FA7]  }
0x2a: {  	p0 =	seq.s32 s5, $0x0;
	s5 =	sld [smem:$0x3FA8]  }
0x2b: {  	s6 =	sld [smem:$0x3FA9]  }
0x2c: {  	s7 =	sld [smem:$0x3FAA]  }
0x2d: {  	s3 =	simm.s32 $0x108;
	s8 =	sld [smem:$0x3FAB]  }
0x2e: {  	s3 =	simm.s32 @!p0 $0x1082;
	s9 =	sld [smem:$0x3FAC]  }
0x2f: {  	lr =	sadd.s32 s0, s3;
	s0 =	sld [smem:$0x3FA3]  }
0x30: {  	s3 =	sld [smem:$0x3FA6]  }
0x31: {  	[smem:$0x3FAF] =	sst s10  }
0x32: {  	s10 =	sld [smem:$0x3FAD];
	_ =	sdelay $0x3  }
0x33: {  	p0 =	seq.s32 s10, $0x1;
	s10 =	sld [smem:$0x3FAF];
	_ =	sdelay $0x3  }
0x34: {  	[smem:$0x3FAF] =	sst s10  }
0x35: {  	s10 =	sld [smem:$0x3FAE];
	_ =	sdelay $0x3  }
0x36: {  	p1 =	seq.s32 s10, $0x1;
	s10 =	sld [smem:$0x3FAF];
	_ =	sdelay $0x3  }
0x37: {  	[smem:$0x3FAF] =	sst s10  }
0x38: {  	s10 =	sld [smem:$0x3FB0]  }
0x39: {  	_ = 	snop;
	(pc) =	sbr.ind lr, $3  }
0x3a: {  	_ = 	snop  }
0x3b: {  	_ = 	snop  }
0x3c: {  	p2 =	seq.s32 s10, $0x1;
	s10 =	sld [smem:$0x3FAF]  }
0x3d: {  	_ =	shalt  }
0x3e: {  	_ =	shalt  }
0x3f: {  	_ =	shalt  }
0x40: {  	_ =	shalt  }
0x41: {  	_ =	shalt  }
0x42: {  	_ =	shalt  }
0x43: {  	_ =	shalt  }
0x44: {  	_ =	shalt  }
0x45: {  	_ =	shalt  }
0x46: {  	_ =	shalt  }
0x47: {  	_ =	shalt  }
0x48: {  	_ =	shalt  }
0x49: {  	_ =	shalt  }
0x4a: {  	_ =	shalt  }
0x4b: {  	_ =	shalt  }
0x4c: {  	_ =	shalt  }
0x4d: {  	_ =	shalt  }
0x4e: {  	_ =	shalt  }
0x4f: {  	_ =	shalt  }
0x50: {  	_ =	shalt  }
0x51: {  	_ =	shalt  }
0x52: {  	_ =	shalt  }
0x53: {  	_ =	shalt  }
0x54: {  	_ =	shalt  }
0x55: {  	_ =	shalt  }
0x56: {  	_ =	shalt  }
0x57: {  	_ =	shalt  }
0x58: {  	_ =	shalt  }
0x59: {  	_ =	shalt  }
0x5a: {  	_ =	shalt  }
0x5b: {  	_ =	shalt  }
0x5c: {  	_ =	shalt  }
0x5d: {  	_ =	shalt  }
0x5e: {  	_ =	shalt  }
0x5f: {  	_ =	shalt  }
0x60: {  	_ =	shalt  }
0x61: {  	_ =	shalt  }
0x62: {  	_ =	shalt  }
0x63: {  	_ =	shalt  }
0x64: {  	_ =	shalt  }
0x65: {  	_ =	shalt  }
0x66: {  	_ =	shalt  }
0x67: {  	_ =	shalt  }
0x68: {  	_ =	shalt  }
0x69: {  	_ =	shalt  }
0x6a: {  	_ =	shalt  }
0x6b: {  	_ =	shalt  }
0x6c: {  	_ =	shalt  }
0x6d: {  	_ =	shalt  }
0x6e: {  	_ =	shalt  }
0x6f: {  	_ =	shalt  }
0x70: {  	_ =	shalt  }
0x71: {  	_ =	shalt  }
0x72: {  	_ =	shalt  }
0x73: {  	_ =	shalt  }
0x74: {  	_ =	shalt  }
0x75: {  	_ =	shalt  }
0x76: {  	_ =	shalt  }
0x77: {  	_ =	shalt  }
0x78: {  	_ =	shalt  }
0x79: {  	_ =	shalt  }
0x7a: {  	_ =	shalt  }
0x7b: {  	_ =	shalt  }
0x7c: {  	_ =	shalt  }
0x7d: {  	_ =	shalt  }
0x7e: {  	_ =	shalt  }
0x7f: {  	_ =	shalt  }
0x80: {  	_ =	shalt  }
0x81: {  	_ =	shalt  }
0x82: {  	_ =	shalt  }
0x83: {  	_ =	shalt  }
0x84: {  	_ =	shalt  }
0x85: {  	_ =	shalt  }
0x86: {  	_ =	shalt  }
0x87: {  	_ =	shalt  }
.Lfunc_end0:
.L_simem_size_0:
called_computation.1_lowered:
.L_overlay_start_0:
0x88: {  	s2 =	sld [smem:$0x3FD9]  }
0x89: {  	s3 =	sld [smem:$0x3FFE];
	_ =	sdelay $0x1  }
0x8a: {  	s1 =	srdreg.scid  }
0x8b: {  	s0 =	sand.u32 $0x1, s1  }
0x8c: {  	s16 =	sshll.u32 s0, $0xA;
	s2 =	sadd.s32 s3, s2  }
0x8d: {  	s2 =	sadd.s32 s2, s16  }
0x8e: {  	[smem:$0x3FBB] =	sst s2  }
0x8f: {  	_ = 	snop  }
0x90: {  	(tm) =	ssettm $0x1  }
0x91: {  	s17 =	sld [smem:$0x3FFB];
	_ =	sdelay $0x3  }
0x92: {  	_ =	strace s17  }
0x93: {  	s2 =	sld [smem:$0x3FFC];
	_ =	sdelay $0x3  }
0x94: {  	_ =	strace s2  }
0x95: {  	s2 =	sld [smem:$0x3FFD];
	_ =	sdelay $0x3  }
0x96: {  	_ =	strace s2  }
0x97: {  	_ =	strace $0x8FFFFFFF  }
0x98: {  	s18 =	sld [smem:$0x3FDB];
	_ =	sdelay $0x1  }
0x99: {  	s19 =	simm.s32 $_scs_section_size  }
0x9a: {  	s4 =	simm.s32 $_size__tile_overlayer_lowered;
	s5 =	simm.s32 $_tile_overlayer_lowered  }
0x9b: {  	s22 =	simm.s32 $0x1BFF;
	s21 =	sshll.u32 s5, $0x1;
	s2 =	sadd.s32 s19, s18  }
0x9c: {  	s6 =	simm.s32 $0x0;
	s20 =	sshll.u32 s4, $0x1;
	s4 =	sadd.s32 s21, s2  }
0x9d: {  	[timem:s6], [sflag:s22] =	dma.local [hbm:s4], s20  }
0x9e: {  	_ =	swait.ge [sflag:s22], s20  }
0x9f: {  	s3 =	ssub.s32 $0x0, s20;
	[sflag:s22] =	ssyncset.done $0x0  }
0xa0: {  	[sflag:s22] =	ssyncadd.s32 s3;
	_ =	sdelay $0x1  }
0xa1: {  	s23 =	simm.s32 $0x1B8B  }
0xa2: {  	_ =	swait.ge [sflag:s23], $0x1  }
0xa3: {  	[sflag:s23] =	ssyncset.done $0x0  }
0xa4: {  	s25 =	simm.s32 $0x1B8E;
	s24 =	sld [smem:$0x3FFE];
	[sflag:s23] =	ssyncadd.s32 $0xFFFFFFFF  }
0xa5: {  	s26 =	simm.s32 $execute0_lowered;
	[smem:$0x3FD2] =	sst s25  }
0xa6: {  	s4 =	sshll.u32 s26, $0x1;
	_ =	strace $0x80000049;
	[dreg:$0x1] =	wrdreg $0xFFFFFFFF  }
0xa7: {  	s28 =	simm.s32 $_size_execute0_lowered;
	s2 =	sadd.s32 s2, s4;
	[dreg:$0x0] =	wrdreg $0x0  }
0xa8: {  	s4 =	sshll.u32 s28, $0x1;
	[dreg:$0x2] =	wrdreg s2  }
0xa9: {  	[dreg:$0x3] =	wrdreg s4  }
0xaa: {  	[dreg:$0x4] =	wrdreg $0xC0  }
0xab: {  	_ =	task [dreg:s6], $0x5FFFF  }
0xac: {  	[dreg:$0x1] =	wrdreg $0xFFFFFFFF  }
0xad: {  	[dreg:$0x0] =	wrdreg $0x60  }
0xae: {  	[dreg:$0x2] =	wrdreg s24  }
0xaf: {  	[dreg:$0x3] =	wrdreg $0x90000  }
0xb0: {  	[dreg:$0x4] =	wrdreg $0x9  }
0xb1: {  	_ =	task.clear_ibuf [dreg:s6], $0x5FFFF;
	_ =	strace $0x90000049  }
0xb2: {  	s29 =	simm.s32 $0x9;
	_ =	strace $0x8000004B  }
0xb3: {  	_ =	swait.ge [sflag:s29], $0x1  }
0xb4: {  	[sflag:s29] =	ssyncadd.s32 $0xFFFFFFFF  }
0xb5: {  	_ =	strace $0x9000004B  }
0xb6: {  	_ =	sfence  }
0xb7: {  	s30 =	sld [smem:$0x0];
	_ =	sdelay $0x2  }
0xb8: {  	s31 =	sshll.u32 s1, $0xD;
	s1 =	sshrl.u32 s1, $0x2  }
0xb9: {  	s3 =	sand.u32 $0x4000, s31;
	s1 =	sadd.s32 s1, s30  }
0xba: {  	s0 =	sor.u32 s3, s0;
	s1 =	sshll.u32 s1, $0x11  }
0xbb: {  	s0 =	sor.u32 s1, s0  }
0xbc: {  	s0 =	sadd.s32 $0x8F2B, s0  }
0xbd: {  	[sflag:s0] =	ssyncadd.remote.s32 $0x1  }
0xbe: {  	_ =	sfence.sel $0xFFFF  }
0xbf: {  	[dreg:$0x0] =	wrdreg $0xFFFFFFFF;
	(pc) =	sbr.abs _section_cstart, $3  }
0xc0: {  	[dreg:$0x1] =	wrdreg $0xFFFFFFFF  }
0xc1: {  	_ =	task.clear_ibuf [dreg:s6], $0x2FFFF;
	_ =	strace $0x9FFFFFFF  }
0xc2: {  	(tm) =	ssettm $0x7FFFFFFF  }
0xc3: {  	_ =	shalt  }
tec
execute0_lowered:
.L_overlay_start_1:
0x0: {  	(tag) =	ssettag $0x1  }
0x1: {  	s9 =	rddreg [dreg:$0x0];
	s1 =	srdreg.scid  }
0x2: {  	s0 =	stileid.u32;
	s2 =	rddreg [dreg:$0x1]  }
0x3: {  	s3 =	simm.s32 $0x0;
	s12 =	simm.s32 $0x66C00;
	s18 =	simm.s32 $0x80  }
0x4: {  	s19 =	simm.s32 $0x5000;
	s20 =	simm.s32 $0x0;
	s7 =	sand.u32 $0x1, s1  }
0x5: {  	s4 =	sshll.u32 s0, $0x1;
	s1 =	rddreg [dreg:$0x2];
	s6 =	smul.u32 $0x50000, s0  }
0x6: {  	[smem:$0x7FF] =	sst s3;
	s31 =	sshll.u32 s0, $0x6;
	s17 =	smul.u32 $0x2800, s0  }
0x7: {  	s4 =	sor.u32 s7, s4;
	_ =	strace $0x8000004A;
	s10 =	ssub.s32 $0x2, s7  }
0x8: {  	p0 =	seq.s32 s7, $0x1;
	s5 =	smul.u32 $0x500, s4;
	s4 =	sadd.s32 $0x17A00, s9  }
0x9: {  	s11 =	sshrl.u32 s10, $0x1;
	s6 =	sshrl.u32 s6, $0x2;
	s12 =	simm.s32 @!p0 $0x3EC00  }
0xa: {  	s10 =	ssub.s32 s10, s11;
	s30 =	sadd.s32 s6, s2;
	s6 =	sor.u32 $0x1C01, s31  }
0xb: {  	s12 =	sadd.s32 s12, s9;
	s8 =	sadd.s32 s5, s9;
	s5 =	sadd.s32 $0x17200, s9  }
0xc: {  	s13 =	sadd.s32 $0x4000, s30;
	s14 =	sadd.s32 $0x8000, s30;
	s15 =	sadd.s32 $0xC000, s30  }
0xd: {  	s16 =	sadd.s32 $0x10000, s30;
	s9 =	smax.u32 s10, $0x1;
	s10 =	sadd.s32 s12, s17  }
0xe: {  	s11 =	sshrl.u32 s30, $0x3;
	s12 =	simm.s32 $0x1;
	s17 =	simm.s32 $0x2800  }
0xf: {  	s7 =	sadd.s32 $0x3200, s8;
	s8 =	sadd.s32 $0xD200, s8;
	s13 =	sshrl.u32 s13, $0x3  }
0x10: {  	s14 =	sshrl.u32 s14, $0x3;
	s15 =	sshrl.u32 s15, $0x3;
	s16 =	sshrl.u32 s16, $0x3  }
.LBB2_1:
0x11: {  	[spmem:s11], [sflag:s6] =	dma.local [hbm:s5], $0x800  }
0x12: {  	_ =	swait.ge [sflag:s12], $0x800  }
0x13: {  	[sflag:s12] =	ssyncset.done $0x0  }
0x14: {  	[sflag:s12] =	ssyncadd.s32 $0xFFFFF800  }
0x15: {  	[spmem:s13], [sflag:s6] =	dma.local [hbm:s5], $0x800  }
0x16: {  	_ =	swait.ge [sflag:s12], $0x800  }
0x17: {  	[sflag:s12] =	ssyncset.done $0x0  }
0x18: {  	[sflag:s12] =	ssyncadd.s32 $0xFFFFF800  }
0x19: {  	[spmem:s14], [sflag:s6] =	dma.local [hbm:s5], $0x800  }
0x1a: {  	_ =	swait.ge [sflag:s12], $0x800  }
0x1b: {  	[sflag:s12] =	ssyncset.done $0x0  }
0x1c: {  	[sflag:s12] =	ssyncadd.s32 $0xFFFFF800  }
0x1d: {  	[spmem:s15], [sflag:s6] =	dma.local [hbm:s5], $0x800  }
0x1e: {  	_ =	swait.ge [sflag:s12], $0x800  }
0x1f: {  	[sflag:s12] =	ssyncset.done $0x0  }
0x20: {  	[sflag:s12] =	ssyncadd.s32 $0xFFFFF800  }
0x21: {  	[spmem:s16], [sflag:s6] =	dma.local [hbm:s5], $0x800  }
0x22: {  	_ =	swait.ge [sflag:s12], $0x800  }
0x23: {  	[sflag:s12] =	ssyncset.done $0x0  }
0x24: {  	[sflag:s12] =	ssyncadd.s32 $0xFFFFF800  }
0x25: {  	[bflag:$0x0] =	sbarrier.arrive $0xFFFF  }
0x26: {  	[tilespmem:s3], [sflag:$0x1] =	stream.linear.gather [hbm4b:s7+s3], $0x2780, $0x38;
	[tilespmem:$0x1D000] =	vst v63  }
0x27: {  	_ =	swait.ge [sflag:s12], $0x2780  }
0x28: {  	[sflag:s12] =	ssyncset.done $0x0  }
0x29: {  	[sflag:s12] =	ssyncadd.s32 $0xFFFFD880  }
0x2a: {  	[tilespmem:s17], [sflag:$0x1] =	stream.linear.gather [hbm4b:s8+s3], $0x2780, $0x38;
	[tilespmem:$0x1D000] =	vst v63  }
0x2b: {  	_ =	swait.ge [sflag:s12], $0x2780  }
0x2c: {  	[sflag:s12] =	ssyncset.done $0x0  }
0x2d: {  	s21 =	simm.s32 $0x0;
	[sflag:s12] =	ssyncadd.s32 $0xFFFFD880  }
0x2e: {  	[tilespmem:s19], [sflag:$0x1] =	stream.indirect.gather [hbm4b:s4+s18], $0x80, s21, s18, $0xb8;
	[tilespmem:$0x1D000] =	vst v63  }
0x2f: {  	_ =	swait.ge [sflag:s12], $0x4000  }
0x30: {  	[sflag:s12] =	ssyncset.done $0x0  }
0x31: {  	s31 =	simm.s32 $0x2800;
	[sflag:s12] =	ssyncadd.s32 $0xFFFFC000  }
0x32: {  	[spmem:s2] =	stream.indirect.scatter.add.f32 [tilespmem:s19], [sflag:$0x1], $0x80, s31, s18, $0xb8;
	[tilespmem:$0x1D000] =	vst v63  }
0x33: {  	_ =	swait.ge [sflag:s12], $0x4000  }
0x34: {  	s22 =	simm.s32 $0x400;
	s21 =	simm.s32 $0x200;
	[sflag:s12] =	ssyncset.done $0x0  }
.LBB2_2:
0x35: {  	s23 =	sshra.s32 s21, $0x2  }
0x36: {  	[sflag:s12] =	ssyncadd.s32 $0xFFFFC000;
	s21 =	smov.u32 s22;
	s24 =	sadd.s32 $0x200, s22  }
0x37: {  	[tilespmem:s19], [sflag:$0x1] =	stream.indirect.gather [hbm4b:s4+s18], $0x80, s23, s18, $0xb8;
	[tilespmem:$0x1D000] =	vst v63  }
0x38: {  	p0 =	sne.s32 s22, $0x9C00;
	_ =	swait.ge [sflag:s12], $0x4000  }
.Ltmp0:
0x39: {  	[sflag:s12] =	ssyncset.done $0x0;
	(pc) =	sbr.rel @p0 .LBB2_2-.Ltmp0, $4  }
0x3a: {  	s22 =	sadd.s32 $0x2800, s23;
	[sflag:s12] =	ssyncadd.s32 $0xFFFFC000  }
0x3b: {  	[spmem:s2] =	stream.indirect.scatter.add.f32 [tilespmem:s19], [sflag:$0x1], $0x80, s22, s18, $0xb8;
	[tilespmem:$0x1D000] =	vst v63  }
0x3c: {  	_ =	swait.ge [sflag:s12], $0x4000  }
0x3d: {  	s22 =	smov.u32 s24;
	[sflag:s12] =	ssyncset.done $0x0  }
0x3e: {  	s21 =	sshra.s32 s21, $0x2;
	[sflag:s12] =	ssyncadd.s32 $0xFFFFC000  }
0x3f: {  	[tilespmem:s19], [sflag:$0x1] =	stream.indirect.gather [hbm4b:s4+s18], $0x80, s21, s18, $0xb8;
	[tilespmem:$0x1D000] =	vst v63  }
0x40: {  	_ =	swait.ge [sflag:s12], $0x4000  }
0x41: {  	[sflag:s12] =	ssyncset.done $0x0  }
0x42: {  	s21 =	sadd.s32 $0x2800, s21;
	[sflag:s12] =	ssyncadd.s32 $0xFFFFC000  }
0x43: {  	[spmem:s2] =	stream.indirect.scatter.add.f32 [tilespmem:s19], [sflag:$0x1], $0x80, s21, s18, $0xb8;
	[tilespmem:$0x1D000] =	vst v63  }
0x44: {  	_ =	swait.ge [sflag:s12], $0x4000  }
0x45: {  	s20 =	sadd.s32 $0x1, s20;
	[sflag:s12] =	ssyncset.done $0x0  }
0x46: {  	p0 =	sne.s32 s20, s9;
	[sflag:s12] =	ssyncadd.s32 $0xFFFFC000  }
.Ltmp1:
0x47: {  	[bflag:$0x0] =	sbarrier.arrive $0xFFFF;
	(pc) =	sbr.rel @p0 .LBB2_1-.Ltmp1, $4  }
0x48: {  	[hbm:s10], [sflag:s6] =	dma.local [spmem:s11], $0x2800  }
0x49: {  	_ =	swait.ge [sflag:s12], $0x2800  }
0x4a: {  	[sflag:s12] =	ssyncset.done $0x0  }
0x4b: {  	[sflag:s12] =	ssyncadd.s32 $0xFFFFD800  }
0x4c: {  	_ =	sfence.sel $0x180000  }
0x4d: {  	[bflag:$0x0] =	sbarrier.arrive $0xFFFF  }
0x4e: {  	p0 =	sne.s32 s0, $0x0;
	_ =	strace $0x9000004A  }
0x4f: {  	s0 =	sadd.s32 @!p0 $0x100000, s1;
	[bflag:$0x2] =	sbarrier.arrive $0xFFFF  }
0x50: {  	[sflag:s0] =	ssyncadd.tile.s32 @!p0 $0x1;
	_ =	shalt  }
.Lfunc_end2:
_tile_overlayer_lowered:
.L_overlay_start_2:
0x51: {  	(tag) =	ssettag $0x2  }
0x52: {  	s0 =	rddreg [dreg:$0x0];
	s2 =	stileid.u32  }
0x53: {  	s1 =	rddreg [dreg:$0x1];
	p0 =	sne.s32 s2, $0x0  }
0x54: {  	s3 =	rddreg [dreg:$0x2];
	[bflag:$0x3] =	sbarrier.arrive $0xFFFF;
	s2 =	simm.s32 @!p0 $0x1C01  }
0x55: {  	[timem:s3], [sflag:s2] =	dma.local @!p0 [hbm:s0], s1  }
0x56: {  	s0 =	simm.s32 @!p0 $0x1  }
0x57: {  	_ =	swait.ge @!p0 [sflag:s0], s1  }
0x58: {  	s1 =	ssub.s32 @!p0 $0x0, s1;
	[sflag:s0] =	ssyncset.done @!p0 $0x0  }
0x59: {  	[sflag:s0] =	ssyncadd.s32 @!p0 s1  }
0x5a: {  	[bflag:$0x3] =	sbarrier.arrive $0xFFFF  }
0x5b: {  	_ =	shalt  }

</sc_bundles>
